<compile_context>
chip_gen: v7x
topology: tpu7x:2x2x1
jax: 0.10.2.dev20260603
libtpu: 0.0.44.dev20260713+nightly
codegen_flags: <defaults>
</compile_context>

<pallas_src>
import functools

import jax
import jax.numpy as jnp
from jax import lax
from jax.experimental import pallas as pl
from jax.experimental.pallas import tpu as pltpu
from jax.experimental.pallas import tpu_sc as plsc

D_MODEL = 32
D_VOCAB = 1000000
BATCH = 16384
HIST = 20

NUM_IDX = BATCH * HIST

NC = 2
NS = 16
NW = NC * NS

B_PER_W = NUM_IDX // NW
N_CHUNK = 8
B_CHUNK = B_PER_W // N_CHUNK

LANES = 16


_VC = 16384
Q = 1 << 18
_NB = Q // _VC


def _stack_t_body(w0, w1, w2, w3, out_ref):
    a = jnp.concatenate([w0[...], w1[...], w2[...], w3[...]], axis=0)
    out_ref[...] = a.T


def _stack_t(w):
    qb = Q // _VC
    last = (D_VOCAB - 1) // _VC
    specs = [
        pl.BlockSpec(
            (D_MODEL, _VC),
            functools.partial(
                lambda q, i: (0, jnp.minimum(q * qb + i, last)), q
            ),
        )
        for q in range(4)
    ]
    return pl.pallas_call(
        _stack_t_body,
        grid=(_NB,),
        in_specs=specs,
        out_specs=pl.BlockSpec((_VC, 128), lambda i: (i, 0)),
        out_shape=jax.ShapeDtypeStruct((Q, 128), jnp.float32),
    )(w, w, w, w)




@functools.partial(
    pl.kernel,
    mesh=plsc.VectorSubcoreMesh(core_axis_name="c", subcore_axis_name="s"),
    out_type=jax.ShapeDtypeStruct((NUM_IDX, D_MODEL), jnp.float32),
    scratch_types=[
        pltpu.VMEM((N_CHUNK, B_CHUNK), jnp.int32),
        pltpu.VMEM((N_CHUNK, B_CHUNK), jnp.int32),
        pltpu.VMEM((2, B_CHUNK, D_MODEL), jnp.float32),
        pltpu.SemaphoreType.DMA,
        pltpu.SemaphoreType.DMA,
    ],
    compiler_params=pltpu.CompilerParams(use_tc_tiling_on_sc=False),
)
def _gather(table_hbm, idx_hbm, out_hbm, idx_v, ridx_v, rows_v, gsem, wsem):
    wid = lax.axis_index("s") * NC + lax.axis_index("c")
    base = wid * B_PER_W
    pltpu.sync_copy(idx_hbm.at[wid], idx_v)

    for j in range(N_CHUNK):
        def body(k, carry):
            sl = pl.ds(k * LANES, LANES)
            e = idx_v[j, sl]
            ridx_v[j, sl] = ((e & (Q - 1)) << 2) | (e >> 18)
            return carry

        lax.fori_loop(0, B_CHUNK // LANES, body, 0)

    g_prev = pltpu.async_copy(table_hbm.at[ridx_v.at[0]], rows_v.at[0], gsem)
    for j in range(N_CHUNK):
        par = j % 2
        if j + 1 < N_CHUNK:
            g_next = pltpu.async_copy(
                table_hbm.at[ridx_v.at[j + 1]], rows_v.at[1 - par], gsem
            )
        g_prev.wait()
        pltpu.async_copy(
            rows_v.at[par],
            out_hbm.at[pl.ds(base + j * B_CHUNK, B_CHUNK)],
            wsem,
        ).wait()
        if j + 1 < N_CHUNK:
            g_prev = g_next


def kernel(x, W_E):
    idx = x.reshape(NW, N_CHUNK, B_CHUNK)
    table = _stack_t(W_E).reshape(4 * Q, D_MODEL)
    out = _gather(table, idx)
    return out.reshape(BATCH, HIST, D_MODEL)

# --- scband reference (transcript-rebuilt; emitter-appended) ---
"""Pipeline reference for scband-pmembed-7499012898874 (READ-ONLY COPY).

The authoritative reference and input builder live on the scoring server;
editing this copy changes nothing except your own understanding.
"""

import jax, jax.numpy as jnp
import numpy as np

D_MODEL = 32
D_VOCAB = 1000000
BATCH = 16384
HIST = 20


def setup_inputs(seed: int = 0) -> dict:
    key = jax.random.key(seed)
    k1, k2 = jax.random.split(key)
    x = jax.random.randint(k1, (BATCH, HIST), 0, D_VOCAB, dtype=jnp.int32)
    W_E = jax.random.normal(k2, (D_MODEL, D_VOCAB), dtype=jnp.float32) / np.sqrt(D_MODEL)
    return {"x": x, "W_E": W_E}


def reference(x, W_E):
    # torch: W_E[:, x] -> [d_model, b, p]; einsum 'dbp -> bpd' -> [b, p, d_model]
    gathered = jnp.take(W_E, x, axis=1)  # [d_model, b, p]
    return jnp.transpose(gathered, (1, 2, 0))  # [b, p, d_model]

if __name__ == "__main__":
    import jax
    _d = setup_inputs()
    print(jax.jit(kernel)(*tuple(_d.values())))

</pallas_src>

<mosaic_0001>
#map = affine_map<(d0, d1) -> (0, 0)>
#map1 = affine_map<(d0, d1) -> (0, 0, 0)>
module attributes {stable_mosaic.version = 14 : i64} {
  func.func @_gather(%arg0: i32, %arg1: i32, %arg2: memref<1048576x32xf32, #tpu.memory_space<hbm>>, %arg3: memref<32x8x1280xi32, #tpu.memory_space<hbm>>, %arg4: memref<327680x32xf32, #tpu.memory_space<hbm>>, %arg5: memref<8x1280xi32, #tpu.memory_space<vmem>>, %arg6: memref<8x1280xi32, #tpu.memory_space<vmem>>, %arg7: memref<2x1280x32xf32, #tpu.memory_space<vmem>>, %arg8: memref<!tpu.dma_semaphore, #tpu.memory_space<semaphore_mem>>, %arg9: memref<!tpu.dma_semaphore, #tpu.memory_space<semaphore_mem>>) attributes {dimension_semantics = [#tpu.dimension_semantics<core_parallel>, #tpu.dimension_semantics<subcore_parallel>], iteration_bounds = array<i64: 2, 16>, scalar_prefetch = 0 : i64, scratch_operands = 5 : i64, tpu.core_type = #tpu.core_type<sc_vector_subcore>, window_params = [{transform_indices = #map}, {transform_indices = #map1}, {transform_indices = #map}]} {
    %mul3A = arith.constant 2 : i32
    %mul3A_0 = arith.muli %arg1, %mul3A : i32
    %add3A = arith.addi %mul3A_0, %arg0 : i32
    %mul3A_1 = arith.constant 10240 : i32
    %mul3A_2 = arith.muli %add3A, %mul3A_1 : i32
    "tpu.region"() ({
      %run_scoped3A = tpu.sem_alloc : memref<!tpu.dma_semaphore, #tpu.memory_space<semaphore_mem>>
      %dma_start3A_464 = arith.constant 0 : i32
      %dma_start3A_465 = arith.constant 0 : i32
      %dma_start3A_466 = tpu.memref_slice %arg3[%add3A, %dma_start3A_464, %dma_start3A_465] : memref<32x8x1280xi32, #tpu.memory_space<hbm>> -> memref<1x8x1280xi32, #tpu.memory_space<hbm>>
      %dma_start3A_467 = tpu.memref_squeeze %dma_start3A_466 : memref<1x8x1280xi32, #tpu.memory_space<hbm>> -> memref<8x1280xi32, #tpu.memory_space<hbm>>
      %dma_start3A_468 = arith.constant 0 : i32
      %dma_start3A_469 = arith.constant 0 : i32
      %dma_start3A_470 = tpu.memref_slice %arg3[%add3A, %dma_start3A_468, %dma_start3A_469] : memref<32x8x1280xi32, #tpu.memory_space<hbm>> -> memref<1x8x1280xi32, #tpu.memory_space<hbm>>
      %dma_start3A_471 = tpu.memref_squeeze %dma_start3A_470 : memref<1x8x1280xi32, #tpu.memory_space<hbm>> -> memref<8x1280xi32, #tpu.memory_space<hbm>>
      tpu.enqueue_dma source(%dma_start3A_471 : memref<8x1280xi32, #tpu.memory_space<hbm>>) target(%arg5 : memref<8x1280xi32, #tpu.memory_space<vmem>>) target_semaphore(%run_scoped3A : memref<!tpu.dma_semaphore, #tpu.memory_space<semaphore_mem>>)
      %dma_wait3A_472 = arith.constant 0 : i32
      %dma_wait3A_473 = arith.constant 0 : i32
      %dma_wait3A_474 = tpu.memref_slice %arg3[%add3A, %dma_wait3A_472, %dma_wait3A_473] : memref<32x8x1280xi32, #tpu.memory_space<hbm>> -> memref<1x8x1280xi32, #tpu.memory_space<hbm>>
      %dma_wait3A_475 = tpu.memref_squeeze %dma_wait3A_474 : memref<1x8x1280xi32, #tpu.memory_space<hbm>> -> memref<8x1280xi32, #tpu.memory_space<hbm>>
      %dma_wait3A_476 = arith.constant 0 : i32
      %dma_wait3A_477 = arith.constant 0 : i32
      %dma_wait3A_478 = tpu.memref_slice %arg3[%add3A, %dma_wait3A_476, %dma_wait3A_477] : memref<32x8x1280xi32, #tpu.memory_space<hbm>> -> memref<1x8x1280xi32, #tpu.memory_space<hbm>>
      %dma_wait3A_479 = tpu.memref_squeeze %dma_wait3A_478 : memref<1x8x1280xi32, #tpu.memory_space<hbm>> -> memref<8x1280xi32, #tpu.memory_space<hbm>>
      tpu.wait_dma2 semaphore(%run_scoped3A : memref<!tpu.dma_semaphore, #tpu.memory_space<semaphore_mem>>) src(%dma_wait3A_479 : memref<8x1280xi32, #tpu.memory_space<hbm>>) dst(%arg5 : memref<8x1280xi32, #tpu.memory_space<vmem>>)
      tpu.yield
    }) : () -> ()
    %scan3A = arith.constant 0 : i32
    %scan3A_3 = arith.constant 0 : i32
    %scan3A_4 = arith.constant 80 : i32
    %scan3A_5 = arith.addi %scan3A_3, %scan3A_4 : i32
    %scan3A_6 = arith.constant 1 : i32
    scf.for %scan3A_464 = %scan3A_3 to %scan3A_5 step %scan3A_6  : i32 {
      %mul3A_465 = arith.constant 16 : i32
      %mul3A_466 = arith.muli %scan3A_464, %mul3A_465 : i32
      %get3A = arith.constant 0 : i32
      %get3A_467 = arith.index_cast %get3A : i32 to index
      %get3A_468 = arith.index_cast %mul3A_466 : i32 to index
      %get3A_469 = tpu.vector_load %arg5[%get3A_467, %get3A_468] {strides = array<i32>} : memref<8x1280xi32, #tpu.memory_space<vmem>>, vector<1x16xi32>,
      %get3A_470 = vector.shape_cast %get3A_469 : vector<1x16xi32> to vector<16xi32>
      %and3A = arith.constant 262143 : i32
      %and3A_471 = vector.broadcast %and3A : i32 to vector<16xi32>
      %and3A_472 = arith.andi %get3A_470, %and3A_471 : vector<16xi32>
      %shift_left3A = arith.constant 2 : i32
      %shift_left3A_473 = vector.broadcast %shift_left3A : i32 to vector<16xi32>
      %shift_left3A_474 = arith.shli %and3A_472, %shift_left3A_473 : vector<16xi32>
      %shift_right_arithmetic3A = arith.constant 18 : i32
      %shift_right_arithmetic3A_475 = vector.broadcast %shift_right_arithmetic3A : i32 to vector<16xi32>
      %shift_right_arithmetic3A_476 = arith.shrsi %get3A_470, %shift_right_arithmetic3A_475 : vector<16xi32>
      %or3A = arith.ori %shift_left3A_474, %shift_right_arithmetic3A_476 : vector<16xi32>
      %swap3A = arith.constant 0 : i32
      %swap3A_477 = arith.index_cast %swap3A : i32 to index
      %swap3A_478 = arith.index_cast %mul3A_466 : i32 to index
      %swap3A_479 = tpu.vector_load %arg6[%swap3A_477, %swap3A_478] {strides = array<i32>} : memref<8x1280xi32, #tpu.memory_space<vmem>>, vector<1x16xi32>,
      %swap3A_480 = vector.shape_cast %swap3A_479 : vector<1x16xi32> to vector<16xi32>
      %swap3A_481 = vector.shape_cast %or3A : vector<16xi32> to vector<1x16xi32>
      tpu.vector_store %arg6[%swap3A_477, %swap3A_478], %swap3A_481 {strides = array<i32>} : memref<8x1280xi32, #tpu.memory_space<vmem>>, vector<1x16xi32>,
    }
    %scan3A_7 = arith.constant 80 : i32
    %scan3A_8 = arith.constant 0 : i32
    %scan3A_9 = arith.constant 0 : i32
    %scan3A_10 = arith.constant 80 : i32
    %scan3A_11 = arith.addi %scan3A_9, %scan3A_10 : i32
    %scan3A_12 = arith.constant 1 : i32
    scf.for %scan3A_464 = %scan3A_9 to %scan3A_11 step %scan3A_12  : i32 {
      %mul3A_465 = arith.constant 16 : i32
      %mul3A_466 = arith.muli %scan3A_464, %mul3A_465 : i32
      %get3A = arith.constant 1 : i32
      %get3A_467 = arith.index_cast %get3A : i32 to index
      %get3A_468 = arith.index_cast %mul3A_466 : i32 to index
      %get3A_469 = tpu.vector_load %arg5[%get3A_467, %get3A_468] {strides = array<i32>} : memref<8x1280xi32, #tpu.memory_space<vmem>>, vector<1x16xi32>,
      %get3A_470 = vector.shape_cast %get3A_469 : vector<1x16xi32> to vector<16xi32>
      %and3A = arith.constant 262143 : i32
      %and3A_471 = vector.broadcast %and3A : i32 to vector<16xi32>
      %and3A_472 = arith.andi %get3A_470, %and3A_471 : vector<16xi32>
      %shift_left3A = arith.constant 2 : i32
      %shift_left3A_473 = vector.broadcast %shift_left3A : i32 to vector<16xi32>
      %shift_left3A_474 = arith.shli %and3A_472, %shift_left3A_473 : vector<16xi32>
      %shift_right_arithmetic3A = arith.constant 18 : i32
      %shift_right_arithmetic3A_475 = vector.broadcast %shift_right_arithmetic3A : i32 to vector<16xi32>
      %shift_right_arithmetic3A_476 = arith.shrsi %get3A_470, %shift_right_arithmetic3A_475 : vector<16xi32>
      %or3A = arith.ori %shift_left3A_474, %shift_right_arithmetic3A_476 : vector<16xi32>
      %swap3A = arith.constant 1 : i32
      %swap3A_477 = arith.index_cast %swap3A : i32 to index
      %swap3A_478 = arith.index_cast %mul3A_466 : i32 to index
      %swap3A_479 = tpu.vector_load %arg6[%swap3A_477, %swap3A_478] {strides = array<i32>} : memref<8x1280xi32, #tpu.memory_space<vmem>>, vector<1x16xi32>,
      %swap3A_480 = vector.shape_cast %swap3A_479 : vector<1x16xi32> to vector<16xi32>
      %swap3A_481 = vector.shape_cast %or3A : vector<16xi32> to vector<1x16xi32>
      tpu.vector_store %arg6[%swap3A_477, %swap3A_478], %swap3A_481 {strides = array<i32>} : memref<8x1280xi32, #tpu.memory_space<vmem>>, vector<1x16xi32>,
    }
    %scan3A_13 = arith.constant 80 : i32
    %scan3A_14 = arith.constant 0 : i32
    %scan3A_15 = arith.constant 0 : i32
    %scan3A_16 = arith.constant 80 : i32
    %scan3A_17 = arith.addi %scan3A_15, %scan3A_16 : i32
    %scan3A_18 = arith.constant 1 : i32
    scf.for %scan3A_464 = %scan3A_15 to %scan3A_17 step %scan3A_18  : i32 {
      %mul3A_465 = arith.constant 16 : i32
      %mul3A_466 = arith.muli %scan3A_464, %mul3A_465 : i32
      %get3A = arith.constant 2 : i32
      %get3A_467 = arith.index_cast %get3A : i32 to index
      %get3A_468 = arith.index_cast %mul3A_466 : i32 to index
      %get3A_469 = tpu.vector_load %arg5[%get3A_467, %get3A_468] {strides = array<i32>} : memref<8x1280xi32, #tpu.memory_space<vmem>>, vector<1x16xi32>,
      %get3A_470 = vector.shape_cast %get3A_469 : vector<1x16xi32> to vector<16xi32>
      %and3A = arith.constant 262143 : i32
      %and3A_471 = vector.broadcast %and3A : i32 to vector<16xi32>
      %and3A_472 = arith.andi %get3A_470, %and3A_471 : vector<16xi32>
      %shift_left3A = arith.constant 2 : i32
      %shift_left3A_473 = vector.broadcast %shift_left3A : i32 to vector<16xi32>
      %shift_left3A_474 = arith.shli %and3A_472, %shift_left3A_473 : vector<16xi32>
      %shift_right_arithmetic3A = arith.constant 18 : i32
      %shift_right_arithmetic3A_475 = vector.broadcast %shift_right_arithmetic3A : i32 to vector<16xi32>
      %shift_right_arithmetic3A_476 = arith.shrsi %get3A_470, %shift_right_arithmetic3A_475 : vector<16xi32>
      %or3A = arith.ori %shift_left3A_474, %shift_right_arithmetic3A_476 : vector<16xi32>
      %swap3A = arith.constant 2 : i32
      %swap3A_477 = arith.index_cast %swap3A : i32 to index
      %swap3A_478 = arith.index_cast %mul3A_466 : i32 to index
      %swap3A_479 = tpu.vector_load %arg6[%swap3A_477, %swap3A_478] {strides = array<i32>} : memref<8x1280xi32, #tpu.memory_space<vmem>>, vector<1x16xi32>,
      %swap3A_480 = vector.shape_cast %swap3A_479 : vector<1x16xi32> to vector<16xi32>
      %swap3A_481 = vector.shape_cast %or3A : vector<16xi32> to vector<1x16xi32>
      tpu.vector_store %arg6[%swap3A_477, %swap3A_478], %swap3A_481 {strides = array<i32>} : memref<8x1280xi32, #tpu.memory_space<vmem>>, vector<1x16xi32>,
    }
    %scan3A_19 = arith.constant 80 : i32
    %scan3A_20 = arith.constant 0 : i32
    %scan3A_21 = arith.constant 0 : i32
    %scan3A_22 = arith.constant 80 : i32
    %scan3A_23 = arith.addi %scan3A_21, %scan3A_22 : i32
    %scan3A_24 = arith.constant 1 : i32
    scf.for %scan3A_464 = %scan3A_21 to %scan3A_23 step %scan3A_24  : i32 {
      %mul3A_465 = arith.constant 16 : i32
      %mul3A_466 = arith.muli %scan3A_464, %mul3A_465 : i32
      %get3A = arith.constant 3 : i32
      %get3A_467 = arith.index_cast %get3A : i32 to index
      %get3A_468 = arith.index_cast %mul3A_466 : i32 to index
      %get3A_469 = tpu.vector_load %arg5[%get3A_467, %get3A_468] {strides = array<i32>} : memref<8x1280xi32, #tpu.memory_space<vmem>>, vector<1x16xi32>,
      %get3A_470 = vector.shape_cast %get3A_469 : vector<1x16xi32> to vector<16xi32>
      %and3A = arith.constant 262143 : i32
      %and3A_471 = vector.broadcast %and3A : i32 to vector<16xi32>
      %and3A_472 = arith.andi %get3A_470, %and3A_471 : vector<16xi32>
      %shift_left3A = arith.constant 2 : i32
      %shift_left3A_473 = vector.broadcast %shift_left3A : i32 to vector<16xi32>
      %shift_left3A_474 = arith.shli %and3A_472, %shift_left3A_473 : vector<16xi32>
      %shift_right_arithmetic3A = arith.constant 18 : i32
      %shift_right_arithmetic3A_475 = vector.broadcast %shift_right_arithmetic3A : i32 to vector<16xi32>
      %shift_right_arithmetic3A_476 = arith.shrsi %get3A_470, %shift_right_arithmetic3A_475 : vector<16xi32>
      %or3A = arith.ori %shift_left3A_474, %shift_right_arithmetic3A_476 : vector<16xi32>
      %swap3A = arith.constant 3 : i32
      %swap3A_477 = arith.index_cast %swap3A : i32 to index
      %swap3A_478 = arith.index_cast %mul3A_466 : i32 to index
      %swap3A_479 = tpu.vector_load %arg6[%swap3A_477, %swap3A_478] {strides = array<i32>} : memref<8x1280xi32, #tpu.memory_space<vmem>>, vector<1x16xi32>,
      %swap3A_480 = vector.shape_cast %swap3A_479 : vector<1x16xi32> to vector<16xi32>
      %swap3A_481 = vector.shape_cast %or3A : vector<16xi32> to vector<1x16xi32>
      tpu.vector_store %arg6[%swap3A_477, %swap3A_478], %swap3A_481 {strides = array<i32>} : memref<8x1280xi32, #tpu.memory_space<vmem>>, vector<1x16xi32>,
    }
    %scan3A_25 = arith.constant 80 : i32
    %scan3A_26 = arith.constant 0 : i32
    %scan3A_27 = arith.constant 0 : i32
    %scan3A_28 = arith.constant 80 : i32
    %scan3A_29 = arith.addi %scan3A_27, %scan3A_28 : i32
    %scan3A_30 = arith.constant 1 : i32
    scf.for %scan3A_464 = %scan3A_27 to %scan3A_29 step %scan3A_30  : i32 {
      %mul3A_465 = arith.constant 16 : i32
      %mul3A_466 = arith.muli %scan3A_464, %mul3A_465 : i32
      %get3A = arith.constant 4 : i32
      %get3A_467 = arith.index_cast %get3A : i32 to index
      %get3A_468 = arith.index_cast %mul3A_466 : i32 to index
      %get3A_469 = tpu.vector_load %arg5[%get3A_467, %get3A_468] {strides = array<i32>} : memref<8x1280xi32, #tpu.memory_space<vmem>>, vector<1x16xi32>,
      %get3A_470 = vector.shape_cast %get3A_469 : vector<1x16xi32> to vector<16xi32>
      %and3A = arith.constant 262143 : i32
      %and3A_471 = vector.broadcast %and3A : i32 to vector<16xi32>
      %and3A_472 = arith.andi %get3A_470, %and3A_471 : vector<16xi32>
      %shift_left3A = arith.constant 2 : i32
      %shift_left3A_473 = vector.broadcast %shift_left3A : i32 to vector<16xi32>
      %shift_left3A_474 = arith.shli %and3A_472, %shift_left3A_473 : vector<16xi32>
      %shift_right_arithmetic3A = arith.constant 18 : i32
      %shift_right_arithmetic3A_475 = vector.broadcast %shift_right_arithmetic3A : i32 to vector<16xi32>
      %shift_right_arithmetic3A_476 = arith.shrsi %get3A_470, %shift_right_arithmetic3A_475 : vector<16xi32>
      %or3A = arith.ori %shift_left3A_474, %shift_right_arithmetic3A_476 : vector<16xi32>
      %swap3A = arith.constant 4 : i32
      %swap3A_477 = arith.index_cast %swap3A : i32 to index
      %swap3A_478 = arith.index_cast %mul3A_466 : i32 to index
      %swap3A_479 = tpu.vector_load %arg6[%swap3A_477, %swap3A_478] {strides = array<i32>} : memref<8x1280xi32, #tpu.memory_space<vmem>>, vector<1x16xi32>,
      %swap3A_480 = vector.shape_cast %swap3A_479 : vector<1x16xi32> to vector<16xi32>
      %swap3A_481 = vector.shape_cast %or3A : vector<16xi32> to vector<1x16xi32>
      tpu.vector_store %arg6[%swap3A_477, %swap3A_478], %swap3A_481 {strides = array<i32>} : memref<8x1280xi32, #tpu.memory_space<vmem>>, vector<1x16xi32>,
    }
    %scan3A_31 = arith.constant 80 : i32
    %scan3A_32 = arith.constant 0 : i32
    %scan3A_33 = arith.constant 0 : i32
    %scan3A_34 = arith.constant 80 : i32
    %scan3A_35 = arith.addi %scan3A_33, %scan3A_34 : i32
    %scan3A_36 = arith.constant 1 : i32
    scf.for %scan3A_464 = %scan3A_33 to %scan3A_35 step %scan3A_36  : i32 {
      %mul3A_465 = arith.constant 16 : i32
      %mul3A_466 = arith.muli %scan3A_464, %mul3A_465 : i32
      %get3A = arith.constant 5 : i32
      %get3A_467 = arith.index_cast %get3A : i32 to index
      %get3A_468 = arith.index_cast %mul3A_466 : i32 to index
      %get3A_469 = tpu.vector_load %arg5[%get3A_467, %get3A_468] {strides = array<i32>} : memref<8x1280xi32, #tpu.memory_space<vmem>>, vector<1x16xi32>,
      %get3A_470 = vector.shape_cast %get3A_469 : vector<1x16xi32> to vector<16xi32>
      %and3A = arith.constant 262143 : i32
      %and3A_471 = vector.broadcast %and3A : i32 to vector<16xi32>
      %and3A_472 = arith.andi %get3A_470, %and3A_471 : vector<16xi32>
      %shift_left3A = arith.constant 2 : i32
      %shift_left3A_473 = vector.broadcast %shift_left3A : i32 to vector<16xi32>
      %shift_left3A_474 = arith.shli %and3A_472, %shift_left3A_473 : vector<16xi32>
      %shift_right_arithmetic3A = arith.constant 18 : i32
      %shift_right_arithmetic3A_475 = vector.broadcast %shift_right_arithmetic3A : i32 to vector<16xi32>
      %shift_right_arithmetic3A_476 = arith.shrsi %get3A_470, %shift_right_arithmetic3A_475 : vector<16xi32>
      %or3A = arith.ori %shift_left3A_474, %shift_right_arithmetic3A_476 : vector<16xi32>
      %swap3A = arith.constant 5 : i32
      %swap3A_477 = arith.index_cast %swap3A : i32 to index
      %swap3A_478 = arith.index_cast %mul3A_466 : i32 to index
      %swap3A_479 = tpu.vector_load %arg6[%swap3A_477, %swap3A_478] {strides = array<i32>} : memref<8x1280xi32, #tpu.memory_space<vmem>>, vector<1x16xi32>,
      %swap3A_480 = vector.shape_cast %swap3A_479 : vector<1x16xi32> to vector<16xi32>
      %swap3A_481 = vector.shape_cast %or3A : vector<16xi32> to vector<1x16xi32>
      tpu.vector_store %arg6[%swap3A_477, %swap3A_478], %swap3A_481 {strides = array<i32>} : memref<8x1280xi32, #tpu.memory_space<vmem>>, vector<1x16xi32>,
    }
    %scan3A_37 = arith.constant 80 : i32
    %scan3A_38 = arith.constant 0 : i32
    %scan3A_39 = arith.constant 0 : i32
    %scan3A_40 = arith.constant 80 : i32
    %scan3A_41 = arith.addi %scan3A_39, %scan3A_40 : i32
    %scan3A_42 = arith.constant 1 : i32
    scf.for %scan3A_464 = %scan3A_39 to %scan3A_41 step %scan3A_42  : i32 {
      %mul3A_465 = arith.constant 16 : i32
      %mul3A_466 = arith.muli %scan3A_464, %mul3A_465 : i32
      %get3A = arith.constant 6 : i32
      %get3A_467 = arith.index_cast %get3A : i32 to index
      %get3A_468 = arith.index_cast %mul3A_466 : i32 to index
      %get3A_469 = tpu.vector_load %arg5[%get3A_467, %get3A_468] {strides = array<i32>} : memref<8x1280xi32, #tpu.memory_space<vmem>>, vector<1x16xi32>,
      %get3A_470 = vector.shape_cast %get3A_469 : vector<1x16xi32> to vector<16xi32>
      %and3A = arith.constant 262143 : i32
      %and3A_471 = vector.broadcast %and3A : i32 to vector<16xi32>
      %and3A_472 = arith.andi %get3A_470, %and3A_471 : vector<16xi32>
      %shift_left3A = arith.constant 2 : i32
      %shift_left3A_473 = vector.broadcast %shift_left3A : i32 to vector<16xi32>
      %shift_left3A_474 = arith.shli %and3A_472, %shift_left3A_473 : vector<16xi32>
      %shift_right_arithmetic3A = arith.constant 18 : i32
      %shift_right_arithmetic3A_475 = vector.broadcast %shift_right_arithmetic3A : i32 to vector<16xi32>
      %shift_right_arithmetic3A_476 = arith.shrsi %get3A_470, %shift_right_arithmetic3A_475 : vector<16xi32>
      %or3A = arith.ori %shift_left3A_474, %shift_right_arithmetic3A_476 : vector<16xi32>
      %swap3A = arith.constant 6 : i32
      %swap3A_477 = arith.index_cast %swap3A : i32 to index
      %swap3A_478 = arith.index_cast %mul3A_466 : i32 to index
      %swap3A_479 = tpu.vector_load %arg6[%swap3A_477, %swap3A_478] {strides = array<i32>} : memref<8x1280xi32, #tpu.memory_space<vmem>>, vector<1x16xi32>,
      %swap3A_480 = vector.shape_cast %swap3A_479 : vector<1x16xi32> to vector<16xi32>
      %swap3A_481 = vector.shape_cast %or3A : vector<16xi32> to vector<1x16xi32>
      tpu.vector_store %arg6[%swap3A_477, %swap3A_478], %swap3A_481 {strides = array<i32>} : memref<8x1280xi32, #tpu.memory_space<vmem>>, vector<1x16xi32>,
    }
    %scan3A_43 = arith.constant 80 : i32
    %scan3A_44 = arith.constant 0 : i32
    %scan3A_45 = arith.constant 0 : i32
    %scan3A_46 = arith.constant 80 : i32
    %scan3A_47 = arith.addi %scan3A_45, %scan3A_46 : i32
    %scan3A_48 = arith.constant 1 : i32
    scf.for %scan3A_464 = %scan3A_45 to %scan3A_47 step %scan3A_48  : i32 {
      %mul3A_465 = arith.constant 16 : i32
      %mul3A_466 = arith.muli %scan3A_464, %mul3A_465 : i32
      %get3A = arith.constant 7 : i32
      %get3A_467 = arith.index_cast %get3A : i32 to index
      %get3A_468 = arith.index_cast %mul3A_466 : i32 to index
      %get3A_469 = tpu.vector_load %arg5[%get3A_467, %get3A_468] {strides = array<i32>} : memref<8x1280xi32, #tpu.memory_space<vmem>>, vector<1x16xi32>,
      %get3A_470 = vector.shape_cast %get3A_469 : vector<1x16xi32> to vector<16xi32>
      %and3A = arith.constant 262143 : i32
      %and3A_471 = vector.broadcast %and3A : i32 to vector<16xi32>
      %and3A_472 = arith.andi %get3A_470, %and3A_471 : vector<16xi32>
      %shift_left3A = arith.constant 2 : i32
      %shift_left3A_473 = vector.broadcast %shift_left3A : i32 to vector<16xi32>
      %shift_left3A_474 = arith.shli %and3A_472, %shift_left3A_473 : vector<16xi32>
      %shift_right_arithmetic3A = arith.constant 18 : i32
      %shift_right_arithmetic3A_475 = vector.broadcast %shift_right_arithmetic3A : i32 to vector<16xi32>
      %shift_right_arithmetic3A_476 = arith.shrsi %get3A_470, %shift_right_arithmetic3A_475 : vector<16xi32>
      %or3A = arith.ori %shift_left3A_474, %shift_right_arithmetic3A_476 : vector<16xi32>
      %swap3A = arith.constant 7 : i32
      %swap3A_477 = arith.index_cast %swap3A : i32 to index
      %swap3A_478 = arith.index_cast %mul3A_466 : i32 to index
      %swap3A_479 = tpu.vector_load %arg6[%swap3A_477, %swap3A_478] {strides = array<i32>} : memref<8x1280xi32, #tpu.memory_space<vmem>>, vector<1x16xi32>,
      %swap3A_480 = vector.shape_cast %swap3A_479 : vector<1x16xi32> to vector<16xi32>
      %swap3A_481 = vector.shape_cast %or3A : vector<16xi32> to vector<1x16xi32>
      tpu.vector_store %arg6[%swap3A_477, %swap3A_478], %swap3A_481 {strides = array<i32>} : memref<8x1280xi32, #tpu.memory_space<vmem>>, vector<1x16xi32>,
    }
    %scan3A_49 = arith.constant 80 : i32
    %dma_start3A = arith.constant 0 : i32
    %dma_start3A_50 = arith.constant 0 : i32
    %dma_start3A_51 = arith.constant 0 : i32
    %dma_start3A_52 = arith.constant 0 : i32
    %dma_start3A_53 = tpu.memref_slice %arg7[%dma_start3A_50, %dma_start3A_51, %dma_start3A_52] : memref<2x1280x32xf32, #tpu.memory_space<vmem>> -> memref<1x1280x32xf32, #tpu.memory_space<vmem>>
    %dma_start3A_54 = tpu.memref_squeeze %dma_start3A_53 : memref<1x1280x32xf32, #tpu.memory_space<vmem>> -> memref<1280x32xf32, #tpu.memory_space<vmem>>
    %dma_start3A_55 = arith.constant 0 : i32
    %dma_start3A_56 = tpu.memref_slice %arg6[%dma_start3A, %dma_start3A_55] : memref<8x1280xi32, #tpu.memory_space<vmem>> -> memref<1x1280xi32, #tpu.memory_space<vmem>>
    %dma_start3A_57 = tpu.memref_squeeze %dma_start3A_56 : memref<1x1280xi32, #tpu.memory_space<vmem>> -> memref<1280xi32, #tpu.memory_space<vmem>>
    %dma_start3A_58 = arith.constant 0 : i32
    %dma_start3A_59 = arith.constant 0 : i32
    %dma_start3A_60 = tpu.memref_slice %arg2[%dma_start3A_58, %dma_start3A_59] : memref<1048576x32xf32, #tpu.memory_space<hbm>> -> memref<1048576x32xf32, #tpu.memory_space<hbm>>
    tpu.enqueue_indirect_dma source(%dma_start3A_60 : memref<1048576x32xf32, #tpu.memory_space<hbm>>) target(%dma_start3A_54 : memref<1280x32xf32, #tpu.memory_space<vmem>>) offsets(%dma_start3A_57 : memref<1280xi32, #tpu.memory_space<vmem>>) semaphore(%arg8 : memref<!tpu.dma_semaphore, #tpu.memory_space<semaphore_mem>>)
    %dma_start3A_61 = arith.constant 1 : i32
    %dma_start3A_62 = arith.constant 1 : i32
    %dma_start3A_63 = arith.constant 0 : i32
    %dma_start3A_64 = arith.constant 0 : i32
    %dma_start3A_65 = tpu.memref_slice %arg7[%dma_start3A_62, %dma_start3A_63, %dma_start3A_64] : memref<2x1280x32xf32, #tpu.memory_space<vmem>> -> memref<1x1280x32xf32, #tpu.memory_space<vmem>>
    %dma_start3A_66 = tpu.memref_squeeze %dma_start3A_65 : memref<1x1280x32xf32, #tpu.memory_space<vmem>> -> memref<1280x32xf32, #tpu.memory_space<vmem>>
    %dma_start3A_67 = arith.constant 0 : i32
    %dma_start3A_68 = tpu.memref_slice %arg6[%dma_start3A_61, %dma_start3A_67] : memref<8x1280xi32, #tpu.memory_space<vmem>> -> memref<1x1280xi32, #tpu.memory_space<vmem>>
    %dma_start3A_69 = tpu.memref_squeeze %dma_start3A_68 : memref<1x1280xi32, #tpu.memory_space<vmem>> -> memref<1280xi32, #tpu.memory_space<vmem>>
    %dma_start3A_70 = arith.constant 0 : i32
    %dma_start3A_71 = arith.constant 0 : i32
    %dma_start3A_72 = tpu.memref_slice %arg2[%dma_start3A_70, %dma_start3A_71] : memref<1048576x32xf32, #tpu.memory_space<hbm>> -> memref<1048576x32xf32, #tpu.memory_space<hbm>>
    tpu.enqueue_indirect_dma source(%dma_start3A_72 : memref<1048576x32xf32, #tpu.memory_space<hbm>>) target(%dma_start3A_66 : memref<1280x32xf32, #tpu.memory_space<vmem>>) offsets(%dma_start3A_69 : memref<1280xi32, #tpu.memory_space<vmem>>) semaphore(%arg8 : memref<!tpu.dma_semaphore, #tpu.memory_space<semaphore_mem>>)
    %dma_wait3A = arith.constant 0 : i32
    %dma_wait3A_73 = arith.constant 0 : i32
    %dma_wait3A_74 = arith.constant 0 : i32
    %dma_wait3A_75 = arith.constant 0 : i32
    %dma_wait3A_76 = tpu.memref_slice %arg7[%dma_wait3A_73, %dma_wait3A_74, %dma_wait3A_75] : memref<2x1280x32xf32, #tpu.memory_space<vmem>> -> memref<1x1280x32xf32, #tpu.memory_space<vmem>>
    %dma_wait3A_77 = tpu.memref_squeeze %dma_wait3A_76 : memref<1x1280x32xf32, #tpu.memory_space<vmem>> -> memref<1280x32xf32, #tpu.memory_space<vmem>>
    %dma_wait3A_78 = arith.constant 0 : i32
    %dma_wait3A_79 = tpu.memref_slice %arg6[%dma_wait3A, %dma_wait3A_78] : memref<8x1280xi32, #tpu.memory_space<vmem>> -> memref<1x1280xi32, #tpu.memory_space<vmem>>
    %dma_wait3A_80 = tpu.memref_squeeze %dma_wait3A_79 : memref<1x1280xi32, #tpu.memory_space<vmem>> -> memref<1280xi32, #tpu.memory_space<vmem>>
    %dma_wait3A_81 = arith.constant 0 : i32
    %dma_wait3A_82 = arith.constant 0 : i32
    %dma_wait3A_83 = tpu.memref_slice %arg2[%dma_wait3A_81, %dma_wait3A_82] : memref<1048576x32xf32, #tpu.memory_space<hbm>> -> memref<1048576x32xf32, #tpu.memory_space<hbm>>
    tpu.wait_indirect_dma semaphore(%arg8 : memref<!tpu.dma_semaphore, #tpu.memory_space<semaphore_mem>>) src(%dma_wait3A_83 : memref<1048576x32xf32, #tpu.memory_space<hbm>>) dst(%dma_wait3A_77 : memref<1280x32xf32, #tpu.memory_space<vmem>>)
    %add3A_84 = arith.constant 0 : i32
    %add3A_85 = arith.addi %mul3A_2, %add3A_84 : i32
    %dma_start3A_86 = arith.constant 0 : i32
    %dma_start3A_87 = arith.constant 0 : i32
    %dma_start3A_88 = arith.constant 0 : i32
    %dma_start3A_89 = tpu.memref_slice %arg7[%dma_start3A_86, %dma_start3A_87, %dma_start3A_88] : memref<2x1280x32xf32, #tpu.memory_space<vmem>> -> memref<1x1280x32xf32, #tpu.memory_space<vmem>>
    %dma_start3A_90 = tpu.memref_squeeze %dma_start3A_89 : memref<1x1280x32xf32, #tpu.memory_space<vmem>> -> memref<1280x32xf32, #tpu.memory_space<vmem>>
    %dma_start3A_91 = arith.constant 0 : i32
    %dma_start3A_92 = tpu.memref_slice %arg4[%add3A_85, %dma_start3A_91] : memref<327680x32xf32, #tpu.memory_space<hbm>> -> memref<1280x32xf32, #tpu.memory_space<hbm>>
    %dma_start3A_93 = arith.constant 0 : i32
    %dma_start3A_94 = tpu.memref_slice %arg4[%add3A_85, %dma_start3A_93] : memref<327680x32xf32, #tpu.memory_space<hbm>> -> memref<1280x32xf32, #tpu.memory_space<hbm>>
    %dma_start3A_95 = arith.constant 0 : i32
    %dma_start3A_96 = arith.constant 0 : i32
    %dma_start3A_97 = tpu.memref_slice %arg7[%dma_start3A_86, %dma_start3A_95, %dma_start3A_96] : memref<2x1280x32xf32, #tpu.memory_space<vmem>> -> memref<1x1280x32xf32, #tpu.memory_space<vmem>>
    %dma_start3A_98 = tpu.memref_squeeze %dma_start3A_97 : memref<1x1280x32xf32, #tpu.memory_space<vmem>> -> memref<1280x32xf32, #tpu.memory_space<vmem>>
    tpu.enqueue_dma source(%dma_start3A_98 : memref<1280x32xf32, #tpu.memory_space<vmem>>) target(%dma_start3A_94 : memref<1280x32xf32, #tpu.memory_space<hbm>>) target_semaphore(%arg9 : memref<!tpu.dma_semaphore, #tpu.memory_space<semaphore_mem>>)
    %dma_wait3A_99 = arith.constant 0 : i32
    %dma_wait3A_100 = arith.constant 0 : i32
    %dma_wait3A_101 = arith.constant 0 : i32
    %dma_wait3A_102 = tpu.memref_slice %arg7[%dma_wait3A_99, %dma_wait3A_100, %dma_wait3A_101] : memref<2x1280x32xf32, #tpu.memory_space<vmem>> -> memref<1x1280x32xf32, #tpu.memory_space<vmem>>
    %dma_wait3A_103 = tpu.memref_squeeze %dma_wait3A_102 : memref<1x1280x32xf32, #tpu.memory_space<vmem>> -> memref<1280x32xf32, #tpu.memory_space<vmem>>
    %dma_wait3A_104 = arith.constant 0 : i32
    %dma_wait3A_105 = tpu.memref_slice %arg4[%add3A_85, %dma_wait3A_104] : memref<327680x32xf32, #tpu.memory_space<hbm>> -> memref<1280x32xf32, #tpu.memory_space<hbm>>
    %dma_wait3A_106 = arith.constant 0 : i32
    %dma_wait3A_107 = tpu.memref_slice %arg4[%add3A_85, %dma_wait3A_106] : memref<327680x32xf32, #tpu.memory_space<hbm>> -> memref<1280x32xf32, #tpu.memory_space<hbm>>
    %dma_wait3A_108 = arith.constant 0 : i32
    %dma_wait3A_109 = arith.constant 0 : i32
    %dma_wait3A_110 = tpu.memref_slice %arg7[%dma_wait3A_99, %dma_wait3A_108, %dma_wait3A_109] : memref<2x1280x32xf32, #tpu.memory_space<vmem>> -> memref<1x1280x32xf32, #tpu.memory_space<vmem>>
    %dma_wait3A_111 = tpu.memref_squeeze %dma_wait3A_110 : memref<1x1280x32xf32, #tpu.memory_space<vmem>> -> memref<1280x32xf32, #tpu.memory_space<vmem>>
    tpu.wait_dma2 semaphore(%arg9 : memref<!tpu.dma_semaphore, #tpu.memory_space<semaphore_mem>>) src(%dma_wait3A_111 : memref<1280x32xf32, #tpu.memory_space<vmem>>) dst(%dma_wait3A_107 : memref<1280x32xf32, #tpu.memory_space<hbm>>)
    %dma_start3A_112 = arith.constant 2 : i32
    %dma_start3A_113 = arith.constant 0 : i32
    %dma_start3A_114 = arith.constant 0 : i32
    %dma_start3A_115 = arith.constant 0 : i32
    %dma_start3A_116 = tpu.memref_slice %arg7[%dma_start3A_113, %dma_start3A_114, %dma_start3A_115] : memref<2x1280x32xf32, #tpu.memory_space<vmem>> -> memref<1x1280x32xf32, #tpu.memory_space<vmem>>
    %dma_start3A_117 = tpu.memref_squeeze %dma_start3A_116 : memref<1x1280x32xf32, #tpu.memory_space<vmem>> -> memref<1280x32xf32, #tpu.memory_space<vmem>>
    %dma_start3A_118 = arith.constant 0 : i32
    %dma_start3A_119 = tpu.memref_slice %arg6[%dma_start3A_112, %dma_start3A_118] : memref<8x1280xi32, #tpu.memory_space<vmem>> -> memref<1x1280xi32, #tpu.memory_space<vmem>>
    %dma_start3A_120 = tpu.memref_squeeze %dma_start3A_119 : memref<1x1280xi32, #tpu.memory_space<vmem>> -> memref<1280xi32, #tpu.memory_space<vmem>>
    %dma_start3A_121 = arith.constant 0 : i32
    %dma_start3A_122 = arith.constant 0 : i32
    %dma_start3A_123 = tpu.memref_slice %arg2[%dma_start3A_121, %dma_start3A_122] : memref<1048576x32xf32, #tpu.memory_space<hbm>> -> memref<1048576x32xf32, #tpu.memory_space<hbm>>
    tpu.enqueue_indirect_dma source(%dma_start3A_123 : memref<1048576x32xf32, #tpu.memory_space<hbm>>) target(%dma_start3A_117 : memref<1280x32xf32, #tpu.memory_space<vmem>>) offsets(%dma_start3A_120 : memref<1280xi32, #tpu.memory_space<vmem>>) semaphore(%arg8 : memref<!tpu.dma_semaphore, #tpu.memory_space<semaphore_mem>>)
    %dma_wait3A_124 = arith.constant 1 : i32
    %dma_wait3A_125 = arith.constant 1 : i32
    %dma_wait3A_126 = arith.constant 0 : i32
    %dma_wait3A_127 = arith.constant 0 : i32
    %dma_wait3A_128 = tpu.memref_slice %arg7[%dma_wait3A_125, %dma_wait3A_126, %dma_wait3A_127] : memref<2x1280x32xf32, #tpu.memory_space<vmem>> -> memref<1x1280x32xf32, #tpu.memory_space<vmem>>
    %dma_wait3A_129 = tpu.memref_squeeze %dma_wait3A_128 : memref<1x1280x32xf32, #tpu.memory_space<vmem>> -> memref<1280x32xf32, #tpu.memory_space<vmem>>
    %dma_wait3A_130 = arith.constant 0 : i32
    %dma_wait3A_131 = tpu.memref_slice %arg6[%dma_wait3A_124, %dma_wait3A_130] : memref<8x1280xi32, #tpu.memory_space<vmem>> -> memref<1x1280xi32, #tpu.memory_space<vmem>>
    %dma_wait3A_132 = tpu.memref_squeeze %dma_wait3A_131 : memref<1x1280xi32, #tpu.memory_space<vmem>> -> memref<1280xi32, #tpu.memory_space<vmem>>
    %dma_wait3A_133 = arith.constant 0 : i32
    %dma_wait3A_134 = arith.constant 0 : i32
    %dma_wait3A_135 = tpu.memref_slice %arg2[%dma_wait3A_133, %dma_wait3A_134] : memref<1048576x32xf32, #tpu.memory_space<hbm>> -> memref<1048576x32xf32, #tpu.memory_space<hbm>>
    tpu.wait_indirect_dma semaphore(%arg8 : memref<!tpu.dma_semaphore, #tpu.memory_space<semaphore_mem>>) src(%dma_wait3A_135 : memref<1048576x32xf32, #tpu.memory_space<hbm>>) dst(%dma_wait3A_129 : memref<1280x32xf32, #tpu.memory_space<vmem>>)
    %add3A_136 = arith.constant 1280 : i32
    %add3A_137 = arith.addi %mul3A_2, %add3A_136 : i32
    %dma_start3A_138 = arith.constant 1 : i32
    %dma_start3A_139 = arith.constant 0 : i32
    %dma_start3A_140 = arith.constant 0 : i32
    %dma_start3A_141 = tpu.memref_slice %arg7[%dma_start3A_138, %dma_start3A_139, %dma_start3A_140] : memref<2x1280x32xf32, #tpu.memory_space<vmem>> -> memref<1x1280x32xf32, #tpu.memory_space<vmem>>
    %dma_start3A_142 = tpu.memref_squeeze %dma_start3A_141 : memref<1x1280x32xf32, #tpu.memory_space<vmem>> -> memref<1280x32xf32, #tpu.memory_space<vmem>>
    %dma_start3A_143 = arith.constant 0 : i32
    %dma_start3A_144 = tpu.memref_slice %arg4[%add3A_137, %dma_start3A_143] : memref<327680x32xf32, #tpu.memory_space<hbm>> -> memref<1280x32xf32, #tpu.memory_space<hbm>>
    %dma_start3A_145 = arith.constant 0 : i32
    %dma_start3A_146 = tpu.memref_slice %arg4[%add3A_137, %dma_start3A_145] : memref<327680x32xf32, #tpu.memory_space<hbm>> -> memref<1280x32xf32, #tpu.memory_space<hbm>>
    %dma_start3A_147 = arith.constant 0 : i32
    %dma_start3A_148 = arith.constant 0 : i32
    %dma_start3A_149 = tpu.memref_slice %arg7[%dma_start3A_138, %dma_start3A_147, %dma_start3A_148] : memref<2x1280x32xf32, #tpu.memory_space<vmem>> -> memref<1x1280x32xf32, #tpu.memory_space<vmem>>
    %dma_start3A_150 = tpu.memref_squeeze %dma_start3A_149 : memref<1x1280x32xf32, #tpu.memory_space<vmem>> -> memref<1280x32xf32, #tpu.memory_space<vmem>>
    tpu.enqueue_dma source(%dma_start3A_150 : memref<1280x32xf32, #tpu.memory_space<vmem>>) target(%dma_start3A_146 : memref<1280x32xf32, #tpu.memory_space<hbm>>) target_semaphore(%arg9 : memref<!tpu.dma_semaphore, #tpu.memory_space<semaphore_mem>>)
    %dma_wait3A_151 = arith.constant 1 : i32
    %dma_wait3A_152 = arith.constant 0 : i32
    %dma_wait3A_153 = arith.constant 0 : i32
    %dma_wait3A_154 = tpu.memref_slice %arg7[%dma_wait3A_151, %dma_wait3A_152, %dma_wait3A_153] : memref<2x1280x32xf32, #tpu.memory_space<vmem>> -> memref<1x1280x32xf32, #tpu.memory_space<vmem>>
    %dma_wait3A_155 = tpu.memref_squeeze %dma_wait3A_154 : memref<1x1280x32xf32, #tpu.memory_space<vmem>> -> memref<1280x32xf32, #tpu.memory_space<vmem>>
    %dma_wait3A_156 = arith.constant 0 : i32
    %dma_wait3A_157 = tpu.memref_slice %arg4[%add3A_137, %dma_wait3A_156] : memref<327680x32xf32, #tpu.memory_space<hbm>> -> memref<1280x32xf32, #tpu.memory_space<hbm>>
    %dma_wait3A_158 = arith.constant 0 : i32
    %dma_wait3A_159 = tpu.memref_slice %arg4[%add3A_137, %dma_wait3A_158] : memref<327680x32xf32, #tpu.memory_space<hbm>> -> memref<1280x32xf32, #tpu.memory_space<hbm>>
    %dma_wait3A_160 = arith.constant 0 : i32
    %dma_wait3A_161 = arith.constant 0 : i32
    %dma_wait3A_162 = tpu.memref_slice %arg7[%dma_wait3A_151, %dma_wait3A_160, %dma_wait3A_161] : memref<2x1280x32xf32, #tpu.memory_space<vmem>> -> memref<1x1280x32xf32, #tpu.memory_space<vmem>>
    %dma_wait3A_163 = tpu.memref_squeeze %dma_wait3A_162 : memref<1x1280x32xf32, #tpu.memory_space<vmem>> -> memref<1280x32xf32, #tpu.memory_space<vmem>>
    tpu.wait_dma2 semaphore(%arg9 : memref<!tpu.dma_semaphore, #tpu.memory_space<semaphore_mem>>) src(%dma_wait3A_163 : memref<1280x32xf32, #tpu.memory_space<vmem>>) dst(%dma_wait3A_159 : memref<1280x32xf32, #tpu.memory_space<hbm>>)
    %dma_start3A_164 = arith.constant 3 : i32
    %dma_start3A_165 = arith.constant 1 : i32
    %dma_start3A_166 = arith.constant 0 : i32
    %dma_start3A_167 = arith.constant 0 : i32
    %dma_start3A_168 = tpu.memref_slice %arg7[%dma_start3A_165, %dma_start3A_166, %dma_start3A_167] : memref<2x1280x32xf32, #tpu.memory_space<vmem>> -> memref<1x1280x32xf32, #tpu.memory_space<vmem>>
    %dma_start3A_169 = tpu.memref_squeeze %dma_start3A_168 : memref<1x1280x32xf32, #tpu.memory_space<vmem>> -> memref<1280x32xf32, #tpu.memory_space<vmem>>
    %dma_start3A_170 = arith.constant 0 : i32
    %dma_start3A_171 = tpu.memref_slice %arg6[%dma_start3A_164, %dma_start3A_170] : memref<8x1280xi32, #tpu.memory_space<vmem>> -> memref<1x1280xi32, #tpu.memory_space<vmem>>
    %dma_start3A_172 = tpu.memref_squeeze %dma_start3A_171 : memref<1x1280xi32, #tpu.memory_space<vmem>> -> memref<1280xi32, #tpu.memory_space<vmem>>
    %dma_start3A_173 = arith.constant 0 : i32
    %dma_start3A_174 = arith.constant 0 : i32
    %dma_start3A_175 = tpu.memref_slice %arg2[%dma_start3A_173, %dma_start3A_174] : memref<1048576x32xf32, #tpu.memory_space<hbm>> -> memref<1048576x32xf32, #tpu.memory_space<hbm>>
    tpu.enqueue_indirect_dma source(%dma_start3A_175 : memref<1048576x32xf32, #tpu.memory_space<hbm>>) target(%dma_start3A_169 : memref<1280x32xf32, #tpu.memory_space<vmem>>) offsets(%dma_start3A_172 : memref<1280xi32, #tpu.memory_space<vmem>>) semaphore(%arg8 : memref<!tpu.dma_semaphore, #tpu.memory_space<semaphore_mem>>)
    %dma_wait3A_176 = arith.constant 2 : i32
    %dma_wait3A_177 = arith.constant 0 : i32
    %dma_wait3A_178 = arith.constant 0 : i32
    %dma_wait3A_179 = arith.constant 0 : i32
    %dma_wait3A_180 = tpu.memref_slice %arg7[%dma_wait3A_177, %dma_wait3A_178, %dma_wait3A_179] : memref<2x1280x32xf32, #tpu.memory_space<vmem>> -> memref<1x1280x32xf32, #tpu.memory_space<vmem>>
    %dma_wait3A_181 = tpu.memref_squeeze %dma_wait3A_180 : memref<1x1280x32xf32, #tpu.memory_space<vmem>> -> memref<1280x32xf32, #tpu.memory_space<vmem>>
    %dma_wait3A_182 = arith.constant 0 : i32
    %dma_wait3A_183 = tpu.memref_slice %arg6[%dma_wait3A_176, %dma_wait3A_182] : memref<8x1280xi32, #tpu.memory_space<vmem>> -> memref<1x1280xi32, #tpu.memory_space<vmem>>
    %dma_wait3A_184 = tpu.memref_squeeze %dma_wait3A_183 : memref<1x1280xi32, #tpu.memory_space<vmem>> -> memref<1280xi32, #tpu.memory_space<vmem>>
    %dma_wait3A_185 = arith.constant 0 : i32
    %dma_wait3A_186 = arith.constant 0 : i32
    %dma_wait3A_187 = tpu.memref_slice %arg2[%dma_wait3A_185, %dma_wait3A_186] : memref<1048576x32xf32, #tpu.memory_space<hbm>> -> memref<1048576x32xf32, #tpu.memory_space<hbm>>
    tpu.wait_indirect_dma semaphore(%arg8 : memref<!tpu.dma_semaphore, #tpu.memory_space<semaphore_mem>>) src(%dma_wait3A_187 : memref<1048576x32xf32, #tpu.memory_space<hbm>>) dst(%dma_wait3A_181 : memref<1280x32xf32, #tpu.memory_space<vmem>>)
    %add3A_188 = arith.constant 2560 : i32
    %add3A_189 = arith.addi %mul3A_2, %add3A_188 : i32
    %dma_start3A_190 = arith.constant 0 : i32
    %dma_start3A_191 = arith.constant 0 : i32
    %dma_start3A_192 = arith.constant 0 : i32
    %dma_start3A_193 = tpu.memref_slice %arg7[%dma_start3A_190, %dma_start3A_191, %dma_start3A_192] : memref<2x1280x32xf32, #tpu.memory_space<vmem>> -> memref<1x1280x32xf32, #tpu.memory_space<vmem>>
    %dma_start3A_194 = tpu.memref_squeeze %dma_start3A_193 : memref<1x1280x32xf32, #tpu.memory_space<vmem>> -> memref<1280x32xf32, #tpu.memory_space<vmem>>
    %dma_start3A_195 = arith.constant 0 : i32
    %dma_start3A_196 = tpu.memref_slice %arg4[%add3A_189, %dma_start3A_195] : memref<327680x32xf32, #tpu.memory_space<hbm>> -> memref<1280x32xf32, #tpu.memory_space<hbm>>
    %dma_start3A_197 = arith.constant 0 : i32
    %dma_start3A_198 = tpu.memref_slice %arg4[%add3A_189, %dma_start3A_197] : memref<327680x32xf32, #tpu.memory_space<hbm>> -> memref<1280x32xf32, #tpu.memory_space<hbm>>
    %dma_start3A_199 = arith.constant 0 : i32
    %dma_start3A_200 = arith.constant 0 : i32
    %dma_start3A_201 = tpu.memref_slice %arg7[%dma_start3A_190, %dma_start3A_199, %dma_start3A_200] : memref<2x1280x32xf32, #tpu.memory_space<vmem>> -> memref<1x1280x32xf32, #tpu.memory_space<vmem>>
    %dma_start3A_202 = tpu.memref_squeeze %dma_start3A_201 : memref<1x1280x32xf32, #tpu.memory_space<vmem>> -> memref<1280x32xf32, #tpu.memory_space<vmem>>
    tpu.enqueue_dma source(%dma_start3A_202 : memref<1280x32xf32, #tpu.memory_space<vmem>>) target(%dma_start3A_198 : memref<1280x32xf32, #tpu.memory_space<hbm>>) target_semaphore(%arg9 : memref<!tpu.dma_semaphore, #tpu.memory_space<semaphore_mem>>)
    %dma_wait3A_203 = arith.constant 0 : i32
    %dma_wait3A_204 = arith.constant 0 : i32
    %dma_wait3A_205 = arith.constant 0 : i32
    %dma_wait3A_206 = tpu.memref_slice %arg7[%dma_wait3A_203, %dma_wait3A_204, %dma_wait3A_205] : memref<2x1280x32xf32, #tpu.memory_space<vmem>> -> memref<1x1280x32xf32, #tpu.memory_space<vmem>>
    %dma_wait3A_207 = tpu.memref_squeeze %dma_wait3A_206 : memref<1x1280x32xf32, #tpu.memory_space<vmem>> -> memref<1280x32xf32, #tpu.memory_space<vmem>>
    %dma_wait3A_208 = arith.constant 0 : i32
    %dma_wait3A_209 = tpu.memref_slice %arg4[%add3A_189, %dma_wait3A_208] : memref<327680x32xf32, #tpu.memory_space<hbm>> -> memref<1280x32xf32, #tpu.memory_space<hbm>>
    %dma_wait3A_210 = arith.constant 0 : i32
    %dma_wait3A_211 = tpu.memref_slice %arg4[%add3A_189, %dma_wait3A_210] : memref<327680x32xf32, #tpu.memory_space<hbm>> -> memref<1280x32xf32, #tpu.memory_space<hbm>>
    %dma_wait3A_212 = arith.constant 0 : i32
    %dma_wait3A_213 = arith.constant 0 : i32
    %dma_wait3A_214 = tpu.memref_slice %arg7[%dma_wait3A_203, %dma_wait3A_212, %dma_wait3A_213] : memref<2x1280x32xf32, #tpu.memory_space<vmem>> -> memref<1x1280x32xf32, #tpu.memory_space<vmem>>
    %dma_wait3A_215 = tpu.memref_squeeze %dma_wait3A_214 : memref<1x1280x32xf32, #tpu.memory_space<vmem>> -> memref<1280x32xf32, #tpu.memory_space<vmem>>
    tpu.wait_dma2 semaphore(%arg9 : memref<!tpu.dma_semaphore, #tpu.memory_space<semaphore_mem>>) src(%dma_wait3A_215 : memref<1280x32xf32, #tpu.memory_space<vmem>>) dst(%dma_wait3A_211 : memref<1280x32xf32, #tpu.memory_space<hbm>>)
    %dma_start3A_216 = arith.constant 4 : i32
    %dma_start3A_217 = arith.constant 0 : i32
    %dma_start3A_218 = arith.constant 0 : i32
    %dma_start3A_219 = arith.constant 0 : i32
    %dma_start3A_220 = tpu.memref_slice %arg7[%dma_start3A_217, %dma_start3A_218, %dma_start3A_219] : memref<2x1280x32xf32, #tpu.memory_space<vmem>> -> memref<1x1280x32xf32, #tpu.memory_space<vmem>>
    %dma_start3A_221 = tpu.memref_squeeze %dma_start3A_220 : memref<1x1280x32xf32, #tpu.memory_space<vmem>> -> memref<1280x32xf32, #tpu.memory_space<vmem>>
    %dma_start3A_222 = arith.constant 0 : i32
    %dma_start3A_223 = tpu.memref_slice %arg6[%dma_start3A_216, %dma_start3A_222] : memref<8x1280xi32, #tpu.memory_space<vmem>> -> memref<1x1280xi32, #tpu.memory_space<vmem>>
    %dma_start3A_224 = tpu.memref_squeeze %dma_start3A_223 : memref<1x1280xi32, #tpu.memory_space<vmem>> -> memref<1280xi32, #tpu.memory_space<vmem>>
    %dma_start3A_225 = arith.constant 0 : i32
    %dma_start3A_226 = arith.constant 0 : i32
    %dma_start3A_227 = tpu.memref_slice %arg2[%dma_start3A_225, %dma_start3A_226] : memref<1048576x32xf32, #tpu.memory_space<hbm>> -> memref<1048576x32xf32, #tpu.memory_space<hbm>>
    tpu.enqueue_indirect_dma source(%dma_start3A_227 : memref<1048576x32xf32, #tpu.memory_space<hbm>>) target(%dma_start3A_221 : memref<1280x32xf32, #tpu.memory_space<vmem>>) offsets(%dma_start3A_224 : memref<1280xi32, #tpu.memory_space<vmem>>) semaphore(%arg8 : memref<!tpu.dma_semaphore, #tpu.memory_space<semaphore_mem>>)
    %dma_wait3A_228 = arith.constant 3 : i32
    %dma_wait3A_229 = arith.constant 1 : i32
    %dma_wait3A_230 = arith.constant 0 : i32
    %dma_wait3A_231 = arith.constant 0 : i32
    %dma_wait3A_232 = tpu.memref_slice %arg7[%dma_wait3A_229, %dma_wait3A_230, %dma_wait3A_231] : memref<2x1280x32xf32, #tpu.memory_space<vmem>> -> memref<1x1280x32xf32, #tpu.memory_space<vmem>>
    %dma_wait3A_233 = tpu.memref_squeeze %dma_wait3A_232 : memref<1x1280x32xf32, #tpu.memory_space<vmem>> -> memref<1280x32xf32, #tpu.memory_space<vmem>>
    %dma_wait3A_234 = arith.constant 0 : i32
    %dma_wait3A_235 = tpu.memref_slice %arg6[%dma_wait3A_228, %dma_wait3A_234] : memref<8x1280xi32, #tpu.memory_space<vmem>> -> memref<1x1280xi32, #tpu.memory_space<vmem>>
    %dma_wait3A_236 = tpu.memref_squeeze %dma_wait3A_235 : memref<1x1280xi32, #tpu.memory_space<vmem>> -> memref<1280xi32, #tpu.memory_space<vmem>>
    %dma_wait3A_237 = arith.constant 0 : i32
    %dma_wait3A_238 = arith.constant 0 : i32
    %dma_wait3A_239 = tpu.memref_slice %arg2[%dma_wait3A_237, %dma_wait3A_238] : memref<1048576x32xf32, #tpu.memory_space<hbm>> -> memref<1048576x32xf32, #tpu.memory_space<hbm>>
    tpu.wait_indirect_dma semaphore(%arg8 : memref<!tpu.dma_semaphore, #tpu.memory_space<semaphore_mem>>) src(%dma_wait3A_239 : memref<1048576x32xf32, #tpu.memory_space<hbm>>) dst(%dma_wait3A_233 : memref<1280x32xf32, #tpu.memory_space<vmem>>)
    %add3A_240 = arith.constant 3840 : i32
    %add3A_241 = arith.addi %mul3A_2, %add3A_240 : i32
    %dma_start3A_242 = arith.constant 1 : i32
    %dma_start3A_243 = arith.constant 0 : i32
    %dma_start3A_244 = arith.constant 0 : i32
    %dma_start3A_245 = tpu.memref_slice %arg7[%dma_start3A_242, %dma_start3A_243, %dma_start3A_244] : memref<2x1280x32xf32, #tpu.memory_space<vmem>> -> memref<1x1280x32xf32, #tpu.memory_space<vmem>>
    %dma_start3A_246 = tpu.memref_squeeze %dma_start3A_245 : memref<1x1280x32xf32, #tpu.memory_space<vmem>> -> memref<1280x32xf32, #tpu.memory_space<vmem>>
    %dma_start3A_247 = arith.constant 0 : i32
    %dma_start3A_248 = tpu.memref_slice %arg4[%add3A_241, %dma_start3A_247] : memref<327680x32xf32, #tpu.memory_space<hbm>> -> memref<1280x32xf32, #tpu.memory_space<hbm>>
    %dma_start3A_249 = arith.constant 0 : i32
    %dma_start3A_250 = tpu.memref_slice %arg4[%add3A_241, %dma_start3A_249] : memref<327680x32xf32, #tpu.memory_space<hbm>> -> memref<1280x32xf32, #tpu.memory_space<hbm>>
    %dma_start3A_251 = arith.constant 0 : i32
    %dma_start3A_252 = arith.constant 0 : i32
    %dma_start3A_253 = tpu.memref_slice %arg7[%dma_start3A_242, %dma_start3A_251, %dma_start3A_252] : memref<2x1280x32xf32, #tpu.memory_space<vmem>> -> memref<1x1280x32xf32, #tpu.memory_space<vmem>>
    %dma_start3A_254 = tpu.memref_squeeze %dma_start3A_253 : memref<1x1280x32xf32, #tpu.memory_space<vmem>> -> memref<1280x32xf32, #tpu.memory_space<vmem>>
    tpu.enqueue_dma source(%dma_start3A_254 : memref<1280x32xf32, #tpu.memory_space<vmem>>) target(%dma_start3A_250 : memref<1280x32xf32, #tpu.memory_space<hbm>>) target_semaphore(%arg9 : memref<!tpu.dma_semaphore, #tpu.memory_space<semaphore_mem>>)
    %dma_wait3A_255 = arith.constant 1 : i32
    %dma_wait3A_256 = arith.constant 0 : i32
    %dma_wait3A_257 = arith.constant 0 : i32
    %dma_wait3A_258 = tpu.memref_slice %arg7[%dma_wait3A_255, %dma_wait3A_256, %dma_wait3A_257] : memref<2x1280x32xf32, #tpu.memory_space<vmem>> -> memref<1x1280x32xf32, #tpu.memory_space<vmem>>
    %dma_wait3A_259 = tpu.memref_squeeze %dma_wait3A_258 : memref<1x1280x32xf32, #tpu.memory_space<vmem>> -> memref<1280x32xf32, #tpu.memory_space<vmem>>
    %dma_wait3A_260 = arith.constant 0 : i32
    %dma_wait3A_261 = tpu.memref_slice %arg4[%add3A_241, %dma_wait3A_260] : memref<327680x32xf32, #tpu.memory_space<hbm>> -> memref<1280x32xf32, #tpu.memory_space<hbm>>
    %dma_wait3A_262 = arith.constant 0 : i32
    %dma_wait3A_263 = tpu.memref_slice %arg4[%add3A_241, %dma_wait3A_262] : memref<327680x32xf32, #tpu.memory_space<hbm>> -> memref<1280x32xf32, #tpu.memory_space<hbm>>
    %dma_wait3A_264 = arith.constant 0 : i32
    %dma_wait3A_265 = arith.constant 0 : i32
    %dma_wait3A_266 = tpu.memref_slice %arg7[%dma_wait3A_255, %dma_wait3A_264, %dma_wait3A_265] : memref<2x1280x32xf32, #tpu.memory_space<vmem>> -> memref<1x1280x32xf32, #tpu.memory_space<vmem>>
    %dma_wait3A_267 = tpu.memref_squeeze %dma_wait3A_266 : memref<1x1280x32xf32, #tpu.memory_space<vmem>> -> memref<1280x32xf32, #tpu.memory_space<vmem>>
    tpu.wait_dma2 semaphore(%arg9 : memref<!tpu.dma_semaphore, #tpu.memory_space<semaphore_mem>>) src(%dma_wait3A_267 : memref<1280x32xf32, #tpu.memory_space<vmem>>) dst(%dma_wait3A_263 : memref<1280x32xf32, #tpu.memory_space<hbm>>)
    %dma_start3A_268 = arith.constant 5 : i32
    %dma_start3A_269 = arith.constant 1 : i32
    %dma_start3A_270 = arith.constant 0 : i32
    %dma_start3A_271 = arith.constant 0 : i32
    %dma_start3A_272 = tpu.memref_slice %arg7[%dma_start3A_269, %dma_start3A_270, %dma_start3A_271] : memref<2x1280x32xf32, #tpu.memory_space<vmem>> -> memref<1x1280x32xf32, #tpu.memory_space<vmem>>
    %dma_start3A_273 = tpu.memref_squeeze %dma_start3A_272 : memref<1x1280x32xf32, #tpu.memory_space<vmem>> -> memref<1280x32xf32, #tpu.memory_space<vmem>>
    %dma_start3A_274 = arith.constant 0 : i32
    %dma_start3A_275 = tpu.memref_slice %arg6[%dma_start3A_268, %dma_start3A_274] : memref<8x1280xi32, #tpu.memory_space<vmem>> -> memref<1x1280xi32, #tpu.memory_space<vmem>>
    %dma_start3A_276 = tpu.memref_squeeze %dma_start3A_275 : memref<1x1280xi32, #tpu.memory_space<vmem>> -> memref<1280xi32, #tpu.memory_space<vmem>>
    %dma_start3A_277 = arith.constant 0 : i32
    %dma_start3A_278 = arith.constant 0 : i32
    %dma_start3A_279 = tpu.memref_slice %arg2[%dma_start3A_277, %dma_start3A_278] : memref<1048576x32xf32, #tpu.memory_space<hbm>> -> memref<1048576x32xf32, #tpu.memory_space<hbm>>
    tpu.enqueue_indirect_dma source(%dma_start3A_279 : memref<1048576x32xf32, #tpu.memory_space<hbm>>) target(%dma_start3A_273 : memref<1280x32xf32, #tpu.memory_space<vmem>>) offsets(%dma_start3A_276 : memref<1280xi32, #tpu.memory_space<vmem>>) semaphore(%arg8 : memref<!tpu.dma_semaphore, #tpu.memory_space<semaphore_mem>>)
    %dma_wait3A_280 = arith.constant 4 : i32
    %dma_wait3A_281 = arith.constant 0 : i32
    %dma_wait3A_282 = arith.constant 0 : i32
    %dma_wait3A_283 = arith.constant 0 : i32
    %dma_wait3A_284 = tpu.memref_slice %arg7[%dma_wait3A_281, %dma_wait3A_282, %dma_wait3A_283] : memref<2x1280x32xf32, #tpu.memory_space<vmem>> -> memref<1x1280x32xf32, #tpu.memory_space<vmem>>
    %dma_wait3A_285 = tpu.memref_squeeze %dma_wait3A_284 : memref<1x1280x32xf32, #tpu.memory_space<vmem>> -> memref<1280x32xf32, #tpu.memory_space<vmem>>
    %dma_wait3A_286 = arith.constant 0 : i32
    %dma_wait3A_287 = tpu.memref_slice %arg6[%dma_wait3A_280, %dma_wait3A_286] : memref<8x1280xi32, #tpu.memory_space<vmem>> -> memref<1x1280xi32, #tpu.memory_space<vmem>>
    %dma_wait3A_288 = tpu.memref_squeeze %dma_wait3A_287 : memref<1x1280xi32, #tpu.memory_space<vmem>> -> memref<1280xi32, #tpu.memory_space<vmem>>
    %dma_wait3A_289 = arith.constant 0 : i32
    %dma_wait3A_290 = arith.constant 0 : i32
    %dma_wait3A_291 = tpu.memref_slice %arg2[%dma_wait3A_289, %dma_wait3A_290] : memref<1048576x32xf32, #tpu.memory_space<hbm>> -> memref<1048576x32xf32, #tpu.memory_space<hbm>>
    tpu.wait_indirect_dma semaphore(%arg8 : memref<!tpu.dma_semaphore, #tpu.memory_space<semaphore_mem>>) src(%dma_wait3A_291 : memref<1048576x32xf32, #tpu.memory_space<hbm>>) dst(%dma_wait3A_285 : memref<1280x32xf32, #tpu.memory_space<vmem>>)
    %add3A_292 = arith.constant 5120 : i32
    %add3A_293 = arith.addi %mul3A_2, %add3A_292 : i32
    %dma_start3A_294 = arith.constant 0 : i32
    %dma_start3A_295 = arith.constant 0 : i32
    %dma_start3A_296 = arith.constant 0 : i32
    %dma_start3A_297 = tpu.memref_slice %arg7[%dma_start3A_294, %dma_start3A_295, %dma_start3A_296] : memref<2x1280x32xf32, #tpu.memory_space<vmem>> -> memref<1x1280x32xf32, #tpu.memory_space<vmem>>
    %dma_start3A_298 = tpu.memref_squeeze %dma_start3A_297 : memref<1x1280x32xf32, #tpu.memory_space<vmem>> -> memref<1280x32xf32, #tpu.memory_space<vmem>>
    %dma_start3A_299 = arith.constant 0 : i32
    %dma_start3A_300 = tpu.memref_slice %arg4[%add3A_293, %dma_start3A_299] : memref<327680x32xf32, #tpu.memory_space<hbm>> -> memref<1280x32xf32, #tpu.memory_space<hbm>>
    %dma_start3A_301 = arith.constant 0 : i32
    %dma_start3A_302 = tpu.memref_slice %arg4[%add3A_293, %dma_start3A_301] : memref<327680x32xf32, #tpu.memory_space<hbm>> -> memref<1280x32xf32, #tpu.memory_space<hbm>>
    %dma_start3A_303 = arith.constant 0 : i32
    %dma_start3A_304 = arith.constant 0 : i32
    %dma_start3A_305 = tpu.memref_slice %arg7[%dma_start3A_294, %dma_start3A_303, %dma_start3A_304] : memref<2x1280x32xf32, #tpu.memory_space<vmem>> -> memref<1x1280x32xf32, #tpu.memory_space<vmem>>
    %dma_start3A_306 = tpu.memref_squeeze %dma_start3A_305 : memref<1x1280x32xf32, #tpu.memory_space<vmem>> -> memref<1280x32xf32, #tpu.memory_space<vmem>>
    tpu.enqueue_dma source(%dma_start3A_306 : memref<1280x32xf32, #tpu.memory_space<vmem>>) target(%dma_start3A_302 : memref<1280x32xf32, #tpu.memory_space<hbm>>) target_semaphore(%arg9 : memref<!tpu.dma_semaphore, #tpu.memory_space<semaphore_mem>>)
    %dma_wait3A_307 = arith.constant 0 : i32
    %dma_wait3A_308 = arith.constant 0 : i32
    %dma_wait3A_309 = arith.constant 0 : i32
    %dma_wait3A_310 = tpu.memref_slice %arg7[%dma_wait3A_307, %dma_wait3A_308, %dma_wait3A_309] : memref<2x1280x32xf32, #tpu.memory_space<vmem>> -> memref<1x1280x32xf32, #tpu.memory_space<vmem>>
    %dma_wait3A_311 = tpu.memref_squeeze %dma_wait3A_310 : memref<1x1280x32xf32, #tpu.memory_space<vmem>> -> memref<1280x32xf32, #tpu.memory_space<vmem>>
    %dma_wait3A_312 = arith.constant 0 : i32
    %dma_wait3A_313 = tpu.memref_slice %arg4[%add3A_293, %dma_wait3A_312] : memref<327680x32xf32, #tpu.memory_space<hbm>> -> memref<1280x32xf32, #tpu.memory_space<hbm>>
    %dma_wait3A_314 = arith.constant 0 : i32
    %dma_wait3A_315 = tpu.memref_slice %arg4[%add3A_293, %dma_wait3A_314] : memref<327680x32xf32, #tpu.memory_space<hbm>> -> memref<1280x32xf32, #tpu.memory_space<hbm>>
    %dma_wait3A_316 = arith.constant 0 : i32
    %dma_wait3A_317 = arith.constant 0 : i32
    %dma_wait3A_318 = tpu.memref_slice %arg7[%dma_wait3A_307, %dma_wait3A_316, %dma_wait3A_317] : memref<2x1280x32xf32, #tpu.memory_space<vmem>> -> memref<1x1280x32xf32, #tpu.memory_space<vmem>>
    %dma_wait3A_319 = tpu.memref_squeeze %dma_wait3A_318 : memref<1x1280x32xf32, #tpu.memory_space<vmem>> -> memref<1280x32xf32, #tpu.memory_space<vmem>>
    tpu.wait_dma2 semaphore(%arg9 : memref<!tpu.dma_semaphore, #tpu.memory_space<semaphore_mem>>) src(%dma_wait3A_319 : memref<1280x32xf32, #tpu.memory_space<vmem>>) dst(%dma_wait3A_315 : memref<1280x32xf32, #tpu.memory_space<hbm>>)
    %dma_start3A_320 = arith.constant 6 : i32
    %dma_start3A_321 = arith.constant 0 : i32
    %dma_start3A_322 = arith.constant 0 : i32
    %dma_start3A_323 = arith.constant 0 : i32
    %dma_start3A_324 = tpu.memref_slice %arg7[%dma_start3A_321, %dma_start3A_322, %dma_start3A_323] : memref<2x1280x32xf32, #tpu.memory_space<vmem>> -> memref<1x1280x32xf32, #tpu.memory_space<vmem>>
    %dma_start3A_325 = tpu.memref_squeeze %dma_start3A_324 : memref<1x1280x32xf32, #tpu.memory_space<vmem>> -> memref<1280x32xf32, #tpu.memory_space<vmem>>
    %dma_start3A_326 = arith.constant 0 : i32
    %dma_start3A_327 = tpu.memref_slice %arg6[%dma_start3A_320, %dma_start3A_326] : memref<8x1280xi32, #tpu.memory_space<vmem>> -> memref<1x1280xi32, #tpu.memory_space<vmem>>
    %dma_start3A_328 = tpu.memref_squeeze %dma_start3A_327 : memref<1x1280xi32, #tpu.memory_space<vmem>> -> memref<1280xi32, #tpu.memory_space<vmem>>
    %dma_start3A_329 = arith.constant 0 : i32
    %dma_start3A_330 = arith.constant 0 : i32
    %dma_start3A_331 = tpu.memref_slice %arg2[%dma_start3A_329, %dma_start3A_330] : memref<1048576x32xf32, #tpu.memory_space<hbm>> -> memref<1048576x32xf32, #tpu.memory_space<hbm>>
    tpu.enqueue_indirect_dma source(%dma_start3A_331 : memref<1048576x32xf32, #tpu.memory_space<hbm>>) target(%dma_start3A_325 : memref<1280x32xf32, #tpu.memory_space<vmem>>) offsets(%dma_start3A_328 : memref<1280xi32, #tpu.memory_space<vmem>>) semaphore(%arg8 : memref<!tpu.dma_semaphore, #tpu.memory_space<semaphore_mem>>)
    %dma_wait3A_332 = arith.constant 5 : i32
    %dma_wait3A_333 = arith.constant 1 : i32
    %dma_wait3A_334 = arith.constant 0 : i32
    %dma_wait3A_335 = arith.constant 0 : i32
    %dma_wait3A_336 = tpu.memref_slice %arg7[%dma_wait3A_333, %dma_wait3A_334, %dma_wait3A_335] : memref<2x1280x32xf32, #tpu.memory_space<vmem>> -> memref<1x1280x32xf32, #tpu.memory_space<vmem>>
    %dma_wait3A_337 = tpu.memref_squeeze %dma_wait3A_336 : memref<1x1280x32xf32, #tpu.memory_space<vmem>> -> memref<1280x32xf32, #tpu.memory_space<vmem>>
    %dma_wait3A_338 = arith.constant 0 : i32
    %dma_wait3A_339 = tpu.memref_slice %arg6[%dma_wait3A_332, %dma_wait3A_338] : memref<8x1280xi32, #tpu.memory_space<vmem>> -> memref<1x1280xi32, #tpu.memory_space<vmem>>
    %dma_wait3A_340 = tpu.memref_squeeze %dma_wait3A_339 : memref<1x1280xi32, #tpu.memory_space<vmem>> -> memref<1280xi32, #tpu.memory_space<vmem>>
    %dma_wait3A_341 = arith.constant 0 : i32
    %dma_wait3A_342 = arith.constant 0 : i32
    %dma_wait3A_343 = tpu.memref_slice %arg2[%dma_wait3A_341, %dma_wait3A_342] : memref<1048576x32xf32, #tpu.memory_space<hbm>> -> memref<1048576x32xf32, #tpu.memory_space<hbm>>
    tpu.wait_indirect_dma semaphore(%arg8 : memref<!tpu.dma_semaphore, #tpu.memory_space<semaphore_mem>>) src(%dma_wait3A_343 : memref<1048576x32xf32, #tpu.memory_space<hbm>>) dst(%dma_wait3A_337 : memref<1280x32xf32, #tpu.memory_space<vmem>>)
    %add3A_344 = arith.constant 6400 : i32
    %add3A_345 = arith.addi %mul3A_2, %add3A_344 : i32
    %dma_start3A_346 = arith.constant 1 : i32
    %dma_start3A_347 = arith.constant 0 : i32
    %dma_start3A_348 = arith.constant 0 : i32
    %dma_start3A_349 = tpu.memref_slice %arg7[%dma_start3A_346, %dma_start3A_347, %dma_start3A_348] : memref<2x1280x32xf32, #tpu.memory_space<vmem>> -> memref<1x1280x32xf32, #tpu.memory_space<vmem>>
    %dma_start3A_350 = tpu.memref_squeeze %dma_start3A_349 : memref<1x1280x32xf32, #tpu.memory_space<vmem>> -> memref<1280x32xf32, #tpu.memory_space<vmem>>
    %dma_start3A_351 = arith.constant 0 : i32
    %dma_start3A_352 = tpu.memref_slice %arg4[%add3A_345, %dma_start3A_351] : memref<327680x32xf32, #tpu.memory_space<hbm>> -> memref<1280x32xf32, #tpu.memory_space<hbm>>
    %dma_start3A_353 = arith.constant 0 : i32
    %dma_start3A_354 = tpu.memref_slice %arg4[%add3A_345, %dma_start3A_353] : memref<327680x32xf32, #tpu.memory_space<hbm>> -> memref<1280x32xf32, #tpu.memory_space<hbm>>
    %dma_start3A_355 = arith.constant 0 : i32
    %dma_start3A_356 = arith.constant 0 : i32
    %dma_start3A_357 = tpu.memref_slice %arg7[%dma_start3A_346, %dma_start3A_355, %dma_start3A_356] : memref<2x1280x32xf32, #tpu.memory_space<vmem>> -> memref<1x1280x32xf32, #tpu.memory_space<vmem>>
    %dma_start3A_358 = tpu.memref_squeeze %dma_start3A_357 : memref<1x1280x32xf32, #tpu.memory_space<vmem>> -> memref<1280x32xf32, #tpu.memory_space<vmem>>
    tpu.enqueue_dma source(%dma_start3A_358 : memref<1280x32xf32, #tpu.memory_space<vmem>>) target(%dma_start3A_354 : memref<1280x32xf32, #tpu.memory_space<hbm>>) target_semaphore(%arg9 : memref<!tpu.dma_semaphore, #tpu.memory_space<semaphore_mem>>)
    %dma_wait3A_359 = arith.constant 1 : i32
    %dma_wait3A_360 = arith.constant 0 : i32
    %dma_wait3A_361 = arith.constant 0 : i32
    %dma_wait3A_362 = tpu.memref_slice %arg7[%dma_wait3A_359, %dma_wait3A_360, %dma_wait3A_361] : memref<2x1280x32xf32, #tpu.memory_space<vmem>> -> memref<1x1280x32xf32, #tpu.memory_space<vmem>>
    %dma_wait3A_363 = tpu.memref_squeeze %dma_wait3A_362 : memref<1x1280x32xf32, #tpu.memory_space<vmem>> -> memref<1280x32xf32, #tpu.memory_space<vmem>>
    %dma_wait3A_364 = arith.constant 0 : i32
    %dma_wait3A_365 = tpu.memref_slice %arg4[%add3A_345, %dma_wait3A_364] : memref<327680x32xf32, #tpu.memory_space<hbm>> -> memref<1280x32xf32, #tpu.memory_space<hbm>>
    %dma_wait3A_366 = arith.constant 0 : i32
    %dma_wait3A_367 = tpu.memref_slice %arg4[%add3A_345, %dma_wait3A_366] : memref<327680x32xf32, #tpu.memory_space<hbm>> -> memref<1280x32xf32, #tpu.memory_space<hbm>>
    %dma_wait3A_368 = arith.constant 0 : i32
    %dma_wait3A_369 = arith.constant 0 : i32
    %dma_wait3A_370 = tpu.memref_slice %arg7[%dma_wait3A_359, %dma_wait3A_368, %dma_wait3A_369] : memref<2x1280x32xf32, #tpu.memory_space<vmem>> -> memref<1x1280x32xf32, #tpu.memory_space<vmem>>
    %dma_wait3A_371 = tpu.memref_squeeze %dma_wait3A_370 : memref<1x1280x32xf32, #tpu.memory_space<vmem>> -> memref<1280x32xf32, #tpu.memory_space<vmem>>
    tpu.wait_dma2 semaphore(%arg9 : memref<!tpu.dma_semaphore, #tpu.memory_space<semaphore_mem>>) src(%dma_wait3A_371 : memref<1280x32xf32, #tpu.memory_space<vmem>>) dst(%dma_wait3A_367 : memref<1280x32xf32, #tpu.memory_space<hbm>>)
    %dma_start3A_372 = arith.constant 7 : i32
    %dma_start3A_373 = arith.constant 1 : i32
    %dma_start3A_374 = arith.constant 0 : i32
    %dma_start3A_375 = arith.constant 0 : i32
    %dma_start3A_376 = tpu.memref_slice %arg7[%dma_start3A_373, %dma_start3A_374, %dma_start3A_375] : memref<2x1280x32xf32, #tpu.memory_space<vmem>> -> memref<1x1280x32xf32, #tpu.memory_space<vmem>>
    %dma_start3A_377 = tpu.memref_squeeze %dma_start3A_376 : memref<1x1280x32xf32, #tpu.memory_space<vmem>> -> memref<1280x32xf32, #tpu.memory_space<vmem>>
    %dma_start3A_378 = arith.constant 0 : i32
    %dma_start3A_379 = tpu.memref_slice %arg6[%dma_start3A_372, %dma_start3A_378] : memref<8x1280xi32, #tpu.memory_space<vmem>> -> memref<1x1280xi32, #tpu.memory_space<vmem>>
    %dma_start3A_380 = tpu.memref_squeeze %dma_start3A_379 : memref<1x1280xi32, #tpu.memory_space<vmem>> -> memref<1280xi32, #tpu.memory_space<vmem>>
    %dma_start3A_381 = arith.constant 0 : i32
    %dma_start3A_382 = arith.constant 0 : i32
    %dma_start3A_383 = tpu.memref_slice %arg2[%dma_start3A_381, %dma_start3A_382] : memref<1048576x32xf32, #tpu.memory_space<hbm>> -> memref<1048576x32xf32, #tpu.memory_space<hbm>>
    tpu.enqueue_indirect_dma source(%dma_start3A_383 : memref<1048576x32xf32, #tpu.memory_space<hbm>>) target(%dma_start3A_377 : memref<1280x32xf32, #tpu.memory_space<vmem>>) offsets(%dma_start3A_380 : memref<1280xi32, #tpu.memory_space<vmem>>) semaphore(%arg8 : memref<!tpu.dma_semaphore, #tpu.memory_space<semaphore_mem>>)
    %dma_wait3A_384 = arith.constant 6 : i32
    %dma_wait3A_385 = arith.constant 0 : i32
    %dma_wait3A_386 = arith.constant 0 : i32
    %dma_wait3A_387 = arith.constant 0 : i32
    %dma_wait3A_388 = tpu.memref_slice %arg7[%dma_wait3A_385, %dma_wait3A_386, %dma_wait3A_387] : memref<2x1280x32xf32, #tpu.memory_space<vmem>> -> memref<1x1280x32xf32, #tpu.memory_space<vmem>>
    %dma_wait3A_389 = tpu.memref_squeeze %dma_wait3A_388 : memref<1x1280x32xf32, #tpu.memory_space<vmem>> -> memref<1280x32xf32, #tpu.memory_space<vmem>>
    %dma_wait3A_390 = arith.constant 0 : i32
    %dma_wait3A_391 = tpu.memref_slice %arg6[%dma_wait3A_384, %dma_wait3A_390] : memref<8x1280xi32, #tpu.memory_space<vmem>> -> memref<1x1280xi32, #tpu.memory_space<vmem>>
    %dma_wait3A_392 = tpu.memref_squeeze %dma_wait3A_391 : memref<1x1280xi32, #tpu.memory_space<vmem>> -> memref<1280xi32, #tpu.memory_space<vmem>>
    %dma_wait3A_393 = arith.constant 0 : i32
    %dma_wait3A_394 = arith.constant 0 : i32
    %dma_wait3A_395 = tpu.memref_slice %arg2[%dma_wait3A_393, %dma_wait3A_394] : memref<1048576x32xf32, #tpu.memory_space<hbm>> -> memref<1048576x32xf32, #tpu.memory_space<hbm>>
    tpu.wait_indirect_dma semaphore(%arg8 : memref<!tpu.dma_semaphore, #tpu.memory_space<semaphore_mem>>) src(%dma_wait3A_395 : memref<1048576x32xf32, #tpu.memory_space<hbm>>) dst(%dma_wait3A_389 : memref<1280x32xf32, #tpu.memory_space<vmem>>)
    %add3A_396 = arith.constant 7680 : i32
    %add3A_397 = arith.addi %mul3A_2, %add3A_396 : i32
    %dma_start3A_398 = arith.constant 0 : i32
    %dma_start3A_399 = arith.constant 0 : i32
    %dma_start3A_400 = arith.constant 0 : i32
    %dma_start3A_401 = tpu.memref_slice %arg7[%dma_start3A_398, %dma_start3A_399, %dma_start3A_400] : memref<2x1280x32xf32, #tpu.memory_space<vmem>> -> memref<1x1280x32xf32, #tpu.memory_space<vmem>>
    %dma_start3A_402 = tpu.memref_squeeze %dma_start3A_401 : memref<1x1280x32xf32, #tpu.memory_space<vmem>> -> memref<1280x32xf32, #tpu.memory_space<vmem>>
    %dma_start3A_403 = arith.constant 0 : i32
    %dma_start3A_404 = tpu.memref_slice %arg4[%add3A_397, %dma_start3A_403] : memref<327680x32xf32, #tpu.memory_space<hbm>> -> memref<1280x32xf32, #tpu.memory_space<hbm>>
    %dma_start3A_405 = arith.constant 0 : i32
    %dma_start3A_406 = tpu.memref_slice %arg4[%add3A_397, %dma_start3A_405] : memref<327680x32xf32, #tpu.memory_space<hbm>> -> memref<1280x32xf32, #tpu.memory_space<hbm>>
    %dma_start3A_407 = arith.constant 0 : i32
    %dma_start3A_408 = arith.constant 0 : i32
    %dma_start3A_409 = tpu.memref_slice %arg7[%dma_start3A_398, %dma_start3A_407, %dma_start3A_408] : memref<2x1280x32xf32, #tpu.memory_space<vmem>> -> memref<1x1280x32xf32, #tpu.memory_space<vmem>>
    %dma_start3A_410 = tpu.memref_squeeze %dma_start3A_409 : memref<1x1280x32xf32, #tpu.memory_space<vmem>> -> memref<1280x32xf32, #tpu.memory_space<vmem>>
    tpu.enqueue_dma source(%dma_start3A_410 : memref<1280x32xf32, #tpu.memory_space<vmem>>) target(%dma_start3A_406 : memref<1280x32xf32, #tpu.memory_space<hbm>>) target_semaphore(%arg9 : memref<!tpu.dma_semaphore, #tpu.memory_space<semaphore_mem>>)
    %dma_wait3A_411 = arith.constant 0 : i32
    %dma_wait3A_412 = arith.constant 0 : i32
    %dma_wait3A_413 = arith.constant 0 : i32
    %dma_wait3A_414 = tpu.memref_slice %arg7[%dma_wait3A_411, %dma_wait3A_412, %dma_wait3A_413] : memref<2x1280x32xf32, #tpu.memory_space<vmem>> -> memref<1x1280x32xf32, #tpu.memory_space<vmem>>
    %dma_wait3A_415 = tpu.memref_squeeze %dma_wait3A_414 : memref<1x1280x32xf32, #tpu.memory_space<vmem>> -> memref<1280x32xf32, #tpu.memory_space<vmem>>
    %dma_wait3A_416 = arith.constant 0 : i32
    %dma_wait3A_417 = tpu.memref_slice %arg4[%add3A_397, %dma_wait3A_416] : memref<327680x32xf32, #tpu.memory_space<hbm>> -> memref<1280x32xf32, #tpu.memory_space<hbm>>
    %dma_wait3A_418 = arith.constant 0 : i32
    %dma_wait3A_419 = tpu.memref_slice %arg4[%add3A_397, %dma_wait3A_418] : memref<327680x32xf32, #tpu.memory_space<hbm>> -> memref<1280x32xf32, #tpu.memory_space<hbm>>
    %dma_wait3A_420 = arith.constant 0 : i32
    %dma_wait3A_421 = arith.constant 0 : i32
    %dma_wait3A_422 = tpu.memref_slice %arg7[%dma_wait3A_411, %dma_wait3A_420, %dma_wait3A_421] : memref<2x1280x32xf32, #tpu.memory_space<vmem>> -> memref<1x1280x32xf32, #tpu.memory_space<vmem>>
    %dma_wait3A_423 = tpu.memref_squeeze %dma_wait3A_422 : memref<1x1280x32xf32, #tpu.memory_space<vmem>> -> memref<1280x32xf32, #tpu.memory_space<vmem>>
    tpu.wait_dma2 semaphore(%arg9 : memref<!tpu.dma_semaphore, #tpu.memory_space<semaphore_mem>>) src(%dma_wait3A_423 : memref<1280x32xf32, #tpu.memory_space<vmem>>) dst(%dma_wait3A_419 : memref<1280x32xf32, #tpu.memory_space<hbm>>)
    %dma_wait3A_424 = arith.constant 7 : i32
    %dma_wait3A_425 = arith.constant 1 : i32
    %dma_wait3A_426 = arith.constant 0 : i32
    %dma_wait3A_427 = arith.constant 0 : i32
    %dma_wait3A_428 = tpu.memref_slice %arg7[%dma_wait3A_425, %dma_wait3A_426, %dma_wait3A_427] : memref<2x1280x32xf32, #tpu.memory_space<vmem>> -> memref<1x1280x32xf32, #tpu.memory_space<vmem>>
    %dma_wait3A_429 = tpu.memref_squeeze %dma_wait3A_428 : memref<1x1280x32xf32, #tpu.memory_space<vmem>> -> memref<1280x32xf32, #tpu.memory_space<vmem>>
    %dma_wait3A_430 = arith.constant 0 : i32
    %dma_wait3A_431 = tpu.memref_slice %arg6[%dma_wait3A_424, %dma_wait3A_430] : memref<8x1280xi32, #tpu.memory_space<vmem>> -> memref<1x1280xi32, #tpu.memory_space<vmem>>
    %dma_wait3A_432 = tpu.memref_squeeze %dma_wait3A_431 : memref<1x1280xi32, #tpu.memory_space<vmem>> -> memref<1280xi32, #tpu.memory_space<vmem>>
    %dma_wait3A_433 = arith.constant 0 : i32
    %dma_wait3A_434 = arith.constant 0 : i32
    %dma_wait3A_435 = tpu.memref_slice %arg2[%dma_wait3A_433, %dma_wait3A_434] : memref<1048576x32xf32, #tpu.memory_space<hbm>> -> memref<1048576x32xf32, #tpu.memory_space<hbm>>
    tpu.wait_indirect_dma semaphore(%arg8 : memref<!tpu.dma_semaphore, #tpu.memory_space<semaphore_mem>>) src(%dma_wait3A_435 : memref<1048576x32xf32, #tpu.memory_space<hbm>>) dst(%dma_wait3A_429 : memref<1280x32xf32, #tpu.memory_space<vmem>>)
    %add3A_436 = arith.constant 8960 : i32
    %add3A_437 = arith.addi %mul3A_2, %add3A_436 : i32
    %dma_start3A_438 = arith.constant 1 : i32
    %dma_start3A_439 = arith.constant 0 : i32
    %dma_start3A_440 = arith.constant 0 : i32
    %dma_start3A_441 = tpu.memref_slice %arg7[%dma_start3A_438, %dma_start3A_439, %dma_start3A_440] : memref<2x1280x32xf32, #tpu.memory_space<vmem>> -> memref<1x1280x32xf32, #tpu.memory_space<vmem>>
    %dma_start3A_442 = tpu.memref_squeeze %dma_start3A_441 : memref<1x1280x32xf32, #tpu.memory_space<vmem>> -> memref<1280x32xf32, #tpu.memory_space<vmem>>
    %dma_start3A_443 = arith.constant 0 : i32
    %dma_start3A_444 = tpu.memref_slice %arg4[%add3A_437, %dma_start3A_443] : memref<327680x32xf32, #tpu.memory_space<hbm>> -> memref<1280x32xf32, #tpu.memory_space<hbm>>
    %dma_start3A_445 = arith.constant 0 : i32
    %dma_start3A_446 = tpu.memref_slice %arg4[%add3A_437, %dma_start3A_445] : memref<327680x32xf32, #tpu.memory_space<hbm>> -> memref<1280x32xf32, #tpu.memory_space<hbm>>
    %dma_start3A_447 = arith.constant 0 : i32
    %dma_start3A_448 = arith.constant 0 : i32
    %dma_start3A_449 = tpu.memref_slice %arg7[%dma_start3A_438, %dma_start3A_447, %dma_start3A_448] : memref<2x1280x32xf32, #tpu.memory_space<vmem>> -> memref<1x1280x32xf32, #tpu.memory_space<vmem>>
    %dma_start3A_450 = tpu.memref_squeeze %dma_start3A_449 : memref<1x1280x32xf32, #tpu.memory_space<vmem>> -> memref<1280x32xf32, #tpu.memory_space<vmem>>
    tpu.enqueue_dma source(%dma_start3A_450 : memref<1280x32xf32, #tpu.memory_space<vmem>>) target(%dma_start3A_446 : memref<1280x32xf32, #tpu.memory_space<hbm>>) target_semaphore(%arg9 : memref<!tpu.dma_semaphore, #tpu.memory_space<semaphore_mem>>)
    %dma_wait3A_451 = arith.constant 1 : i32
    %dma_wait3A_452 = arith.constant 0 : i32
    %dma_wait3A_453 = arith.constant 0 : i32
    %dma_wait3A_454 = tpu.memref_slice %arg7[%dma_wait3A_451, %dma_wait3A_452, %dma_wait3A_453] : memref<2x1280x32xf32, #tpu.memory_space<vmem>> -> memref<1x1280x32xf32, #tpu.memory_space<vmem>>
    %dma_wait3A_455 = tpu.memref_squeeze %dma_wait3A_454 : memref<1x1280x32xf32, #tpu.memory_space<vmem>> -> memref<1280x32xf32, #tpu.memory_space<vmem>>
    %dma_wait3A_456 = arith.constant 0 : i32
    %dma_wait3A_457 = tpu.memref_slice %arg4[%add3A_437, %dma_wait3A_456] : memref<327680x32xf32, #tpu.memory_space<hbm>> -> memref<1280x32xf32, #tpu.memory_space<hbm>>
    %dma_wait3A_458 = arith.constant 0 : i32
    %dma_wait3A_459 = tpu.memref_slice %arg4[%add3A_437, %dma_wait3A_458] : memref<327680x32xf32, #tpu.memory_space<hbm>> -> memref<1280x32xf32, #tpu.memory_space<hbm>>
    %dma_wait3A_460 = arith.constant 0 : i32
    %dma_wait3A_461 = arith.constant 0 : i32
    %dma_wait3A_462 = tpu.memref_slice %arg7[%dma_wait3A_451, %dma_wait3A_460, %dma_wait3A_461] : memref<2x1280x32xf32, #tpu.memory_space<vmem>> -> memref<1x1280x32xf32, #tpu.memory_space<vmem>>
    %dma_wait3A_463 = tpu.memref_squeeze %dma_wait3A_462 : memref<1x1280x32xf32, #tpu.memory_space<vmem>> -> memref<1280x32xf32, #tpu.memory_space<vmem>>
    tpu.wait_dma2 semaphore(%arg9 : memref<!tpu.dma_semaphore, #tpu.memory_space<semaphore_mem>>) src(%dma_wait3A_463 : memref<1280x32xf32, #tpu.memory_space<vmem>>) dst(%dma_wait3A_459 : memref<1280x32xf32, #tpu.memory_space<hbm>>)
    return
  }
}

module attributes {stable_mosaic.version = 14 : i64} {
  func.func @_stack_t_body(%arg0: i32, %arg1: memref<32x16384xf32, #tpu.memory_space<vmem>>, %arg2: memref<32x16384xf32, #tpu.memory_space<vmem>>, %arg3: memref<32x16384xf32, #tpu.memory_space<vmem>>, %arg4: memref<32x16384xf32, #tpu.memory_space<vmem>>, %arg5: memref<16384x128xf32, #tpu.memory_space<vmem>>) attributes {dimension_semantics = [#tpu.dimension_semantics<arbitrary>], iteration_bounds = array<i64: 16>, scalar_prefetch = 0 : i64, scratch_operands = 0 : i64, tpu.core_type = #tpu.core_type<tc>, window_params = [{transform_indices = @transform_0, window_bounds = array<i64: 32, 16384>}, {transform_indices = @transform_1, window_bounds = array<i64: 32, 16384>}, {transform_indices = @transform_2, window_bounds = array<i64: 32, 16384>}, {transform_indices = @transform_3, window_bounds = array<i64: 32, 16384>}, {transform_indices = @transform_4, window_bounds = array<i64: 16384, 128>}]} {
    %get3A = arith.constant 0 : index
    %get3A_0 = arith.constant 0 : index
    %get3A_1 = vector.load %arg1[%get3A, %get3A_0] : memref<32x16384xf32, #tpu.memory_space<vmem>>, vector<32x16384xf32>
    %get3A_2 = arith.constant 0 : index
    %get3A_3 = arith.constant 0 : index
    %get3A_4 = vector.load %arg2[%get3A_2, %get3A_3] : memref<32x16384xf32, #tpu.memory_space<vmem>>, vector<32x16384xf32>
    %get3A_5 = arith.constant 0 : index
    %get3A_6 = arith.constant 0 : index
    %get3A_7 = vector.load %arg3[%get3A_5, %get3A_6] : memref<32x16384xf32, #tpu.memory_space<vmem>>, vector<32x16384xf32>
    %get3A_8 = arith.constant 0 : index
    %get3A_9 = arith.constant 0 : index
    %get3A_10 = vector.load %arg4[%get3A_8, %get3A_9] : memref<32x16384xf32, #tpu.memory_space<vmem>>, vector<32x16384xf32>
    %concatenate3A = tpu.concatenate %get3A_1, %get3A_4, %get3A_7, %get3A_10 in 0 : vector<32x16384xf32>, vector<32x16384xf32>, vector<32x16384xf32>, vector<32x16384xf32> -> vector<128x16384xf32>
    %transpose3A = tpu.transpose %concatenate3A, [1, 0] : vector<128x16384xf32> -> vector<16384x128xf32>
    %swap3A = arith.constant 0 : index
    %swap3A_11 = arith.constant 0 : index
    %swap3A_12 = vector.load %arg5[%swap3A, %swap3A_11] : memref<16384x128xf32, #tpu.memory_space<vmem>>, vector<16384x128xf32>
    tpu.vector_store %arg5[%swap3A, %swap3A_11], %transpose3A {strides = array<i32>} : memref<16384x128xf32, #tpu.memory_space<vmem>>, vector<16384x128xf32>,
    return
  }
  func.func @transform_0(%arg0: i32) -> (i32, i32) {
    %add3A = arith.constant 0 : i32
    %add3A_0 = arith.addi %add3A, %arg0 : i32
    %min3A = arith.constant 61 : i32
    %min3A_1 = arith.minsi %add3A_0, %min3A : i32
    %c0_i32 = arith.constant 0 : i32
    %c0_i32_2 = arith.constant 0 : i32
    return %c0_i32, %min3A_1 : i32, i32
  }
  func.func @transform_1(%arg0: i32) -> (i32, i32) {
    %add3A = arith.constant 16 : i32
    %add3A_0 = arith.addi %add3A, %arg0 : i32
    %min3A = arith.constant 61 : i32
    %min3A_1 = arith.minsi %add3A_0, %min3A : i32
    %c0_i32 = arith.constant 0 : i32
    %c0_i32_2 = arith.constant 0 : i32
    return %c0_i32, %min3A_1 : i32, i32
  }
  func.func @transform_2(%arg0: i32) -> (i32, i32) {
    %add3A = arith.constant 32 : i32
    %add3A_0 = arith.addi %add3A, %arg0 : i32
    %min3A = arith.constant 61 : i32
    %min3A_1 = arith.minsi %add3A_0, %min3A : i32
    %c0_i32 = arith.constant 0 : i32
    %c0_i32_2 = arith.constant 0 : i32
    return %c0_i32, %min3A_1 : i32, i32
  }
  func.func @transform_3(%arg0: i32) -> (i32, i32) {
    %add3A = arith.constant 48 : i32
    %add3A_0 = arith.addi %add3A, %arg0 : i32
    %min3A = arith.constant 61 : i32
    %min3A_1 = arith.minsi %add3A_0, %min3A : i32
    %c0_i32 = arith.constant 0 : i32
    %c0_i32_2 = arith.constant 0 : i32
    return %c0_i32, %min3A_1 : i32, i32
  }
  func.func @transform_4(%arg0: i32) -> (i32, i32) {
    %c0_i32 = arith.constant 0 : i32
    %c0_i32_0 = arith.constant 0 : i32
    return %arg0, %c0_i32 : i32, i32
  }
}

</mosaic_0001>

<sc_bundles>
// kernel: kernel.4.cloned.1.call-start
scs
__scs_entry_jumppad:
0x0: {  	(pc) =	sbr.rel $0x88, $3  }
0x1: {  	(tag) =	ssettag $0x0;
	lr =	simm.s32 $0x1  }
0x2: {  	[smem:$0x3F9F] =	sst lr;
	_ =	strace $0xD0000000  }
0x3: {  	_ = 	snop  }
0x4: {  	_ = 	snop  }
0x5: {  	_ = 	snop  }
0x6: {  	_ = 	snop  }
0x7: {  	_ = 	snop  }
__scs_overlays_trampoline_lowered:
0x8: {  	[smem:$0x3FAE] =	sst s0  }
0x9: {  	[smem:$0x3FAF] =	sst s1  }
0xa: {  	[smem:$0x3FB0] =	sst s2  }
0xb: {  	[smem:$0x3FB1] =	sst s3  }
0xc: {  	[smem:$0x3FB2] =	sst s4  }
0xd: {  	[smem:$0x3FB3] =	sst s5  }
0xe: {  	[smem:$0x3FB4] =	sst s6  }
0xf: {  	[smem:$0x3FB5] =	sst s7  }
0x10: {  	[smem:$0x3FB6] =	sst s8  }
0x11: {  	[smem:$0x3FB7] =	sst s9;
	s0 =	simm.s32 @!p0 $0x0  }
0x12: {  	s1 =	sld [smem:$0x3F9D];
	s0 =	simm.s32 @p0 $0x1  }
0x13: {  	[smem:$0x3FB8] =	sst s0;
	s0 =	simm.s32 @!p1 $0x0  }
0x14: {  	s2 =	sld [smem:$0x3F9C];
	s0 =	simm.s32 @p1 $0x1  }
0x15: {  	[smem:$0x3FB9] =	sst s0;
	s0 =	simm.s32 @!p2 $0x0  }
0x16: {  	s3 =	sld [smem:$0x3FDB];
	s0 =	simm.s32 @p2 $0x1  }
0x17: {  	s4 =	simm.s32 $0x1BF5;
	[smem:$0x3FBB] =	sst s0  }
0x18: {  	s0 =	sld [smem:$0x3F9E];
	_ =	swait.ge [sflag:s4], $0x0  }
0x19: {  	s7 =	sld [smem:$0x3F9F]  }
0x1a: {  	s8 =	sadd.s32 $0xFFFFE003, lr  }
0x1b: {  	s9 =	sadd.s32 $0xFFFFFEF7, lr;
	s5 =	simm.s32 $0xFFFFFFFF;
	p2 =	slt.u32 s8, $0xFFFFF086  }
0x1c: {  	p1 =	slt.u32 s9, $0xF7A;
	s5 =	simm.s32 @!p2 $0x0  }
0x1d: {  	s5 =	simm.s32 @p1 $0x1;
	p0 =	seq.s32 s7, s2  }
0x1e: {  	s7 =	smul.u32 @!p0 $0xF7A, s2;
	p2 =	seq.s32 @!p0 s5, $0x0  }
0x1f: {  	s9 =	smul.u32 $0xF7A, s1;
	s8 =	simm.s32 @!p0 $0x1BF5;
	p2 =	por !p2, p0  }
0x20: {  	[sflag:s8] =	ssyncset.s32 @!p0 $0xFFFFF086;
	s6 =	sadd.s32 @!p0 s3, s7;
	s7 =	simm.s32 @!p0 $0x108  }
0x21: {  	s3 =	sadd.s32 s3, s9;
	s6 =	sadd.s32 @!p0 $0x88, s6;
	s7 =	simm.s32 @p2 $0x1082  }
0x22: {  	[simem:s7], [sflag:s8] =	dma.local @!p0 [hbm:s6], $0xF7A  }
0x23: {  	s9 =	sor.u32 $0xD0000000, s2;
	s6 =	simm.s32 $0x108;
	_ =	swait.ge @!p0 [sflag:s8], $0x0  }
0x24: {  	s3 =	sadd.s32 $0x88, s3;
	s6 =	simm.s32 @!p1 $0x1082;
	[sflag:s4] =	ssyncset.s32 $0xFFFFF086  }
0x25: {  	[simem:s6], [sflag:s4] =	dma.local [hbm:s3], $0xF7A  }
0x26: {  	[smem:$0x3F9F] =	sst s1;
	(tag) =	ssettag s2;
	_ =	strace s9  }
0x27: {  	s1 =	sld [smem:$0x3FAF]  }
0x28: {  	s2 =	sld [smem:$0x3FB0]  }
0x29: {  	s4 =	sld [smem:$0x3FB2]  }
0x2a: {  	p0 =	seq.s32 s5, $0x0;
	s5 =	sld [smem:$0x3FB3]  }
0x2b: {  	s6 =	sld [smem:$0x3FB4]  }
0x2c: {  	s7 =	sld [smem:$0x3FB5]  }
0x2d: {  	s3 =	simm.s32 $0x108;
	s8 =	sld [smem:$0x3FB6]  }
0x2e: {  	s3 =	simm.s32 @!p0 $0x1082;
	s9 =	sld [smem:$0x3FB7]  }
0x2f: {  	lr =	sadd.s32 s0, s3;
	s0 =	sld [smem:$0x3FAE]  }
0x30: {  	s3 =	sld [smem:$0x3FB1]  }
0x31: {  	[smem:$0x3FBA] =	sst s10  }
0x32: {  	s10 =	sld [smem:$0x3FB8];
	_ =	sdelay $0x3  }
0x33: {  	p0 =	seq.s32 s10, $0x1;
	s10 =	sld [smem:$0x3FBA];
	_ =	sdelay $0x3  }
0x34: {  	[smem:$0x3FBA] =	sst s10  }
0x35: {  	s10 =	sld [smem:$0x3FB9];
	_ =	sdelay $0x3  }
0x36: {  	p1 =	seq.s32 s10, $0x1;
	s10 =	sld [smem:$0x3FBA];
	_ =	sdelay $0x3  }
0x37: {  	[smem:$0x3FBA] =	sst s10  }
0x38: {  	s10 =	sld [smem:$0x3FBB]  }
0x39: {  	_ = 	snop;
	(pc) =	sbr.ind lr, $3  }
0x3a: {  	_ = 	snop  }
0x3b: {  	_ = 	snop  }
0x3c: {  	p2 =	seq.s32 s10, $0x1;
	s10 =	sld [smem:$0x3FBA]  }
0x3d: {  	_ =	shalt  }
0x3e: {  	_ =	shalt  }
0x3f: {  	_ =	shalt  }
0x40: {  	_ =	shalt  }
0x41: {  	_ =	shalt  }
0x42: {  	_ =	shalt  }
0x43: {  	_ =	shalt  }
0x44: {  	_ =	shalt  }
0x45: {  	_ =	shalt  }
0x46: {  	_ =	shalt  }
0x47: {  	_ =	shalt  }
0x48: {  	_ =	shalt  }
0x49: {  	_ =	shalt  }
0x4a: {  	_ =	shalt  }
0x4b: {  	_ =	shalt  }
0x4c: {  	_ =	shalt  }
0x4d: {  	_ =	shalt  }
0x4e: {  	_ =	shalt  }
0x4f: {  	_ =	shalt  }
0x50: {  	_ =	shalt  }
0x51: {  	_ =	shalt  }
0x52: {  	_ =	shalt  }
0x53: {  	_ =	shalt  }
0x54: {  	_ =	shalt  }
0x55: {  	_ =	shalt  }
0x56: {  	_ =	shalt  }
0x57: {  	_ =	shalt  }
0x58: {  	_ =	shalt  }
0x59: {  	_ =	shalt  }
0x5a: {  	_ =	shalt  }
0x5b: {  	_ =	shalt  }
0x5c: {  	_ =	shalt  }
0x5d: {  	_ =	shalt  }
0x5e: {  	_ =	shalt  }
0x5f: {  	_ =	shalt  }
0x60: {  	_ =	shalt  }
0x61: {  	_ =	shalt  }
0x62: {  	_ =	shalt  }
0x63: {  	_ =	shalt  }
0x64: {  	_ =	shalt  }
0x65: {  	_ =	shalt  }
0x66: {  	_ =	shalt  }
0x67: {  	_ =	shalt  }
0x68: {  	_ =	shalt  }
0x69: {  	_ =	shalt  }
0x6a: {  	_ =	shalt  }
0x6b: {  	_ =	shalt  }
0x6c: {  	_ =	shalt  }
0x6d: {  	_ =	shalt  }
0x6e: {  	_ =	shalt  }
0x6f: {  	_ =	shalt  }
0x70: {  	_ =	shalt  }
0x71: {  	_ =	shalt  }
0x72: {  	_ =	shalt  }
0x73: {  	_ =	shalt  }
0x74: {  	_ =	shalt  }
0x75: {  	_ =	shalt  }
0x76: {  	_ =	shalt  }
0x77: {  	_ =	shalt  }
0x78: {  	_ =	shalt  }
0x79: {  	_ =	shalt  }
0x7a: {  	_ =	shalt  }
0x7b: {  	_ =	shalt  }
0x7c: {  	_ =	shalt  }
0x7d: {  	_ =	shalt  }
0x7e: {  	_ =	shalt  }
0x7f: {  	_ =	shalt  }
0x80: {  	_ =	shalt  }
0x81: {  	_ =	shalt  }
0x82: {  	_ =	shalt  }
0x83: {  	_ =	shalt  }
0x84: {  	_ =	shalt  }
0x85: {  	_ =	shalt  }
0x86: {  	_ =	shalt  }
0x87: {  	_ =	shalt  }
.Lfunc_end0:
.L_simem_size_0:
called_computation.1_lowered:
.L_overlay_start_0:
0x88: {  	s2 =	sld [smem:$0x3FD9]  }
0x89: {  	s3 =	sld [smem:$0x3FFE];
	_ =	sdelay $0x1  }
0x8a: {  	s1 =	srdreg.scid  }
0x8b: {  	s0 =	sand.u32 $0x1, s1  }
0x8c: {  	s17 =	sshll.u32 s0, $0xA;
	s2 =	sadd.s32 s3, s2  }
0x8d: {  	s2 =	sadd.s32 s2, s17  }
0x8e: {  	[smem:$0x3FC6] =	sst s2  }
0x8f: {  	_ = 	snop  }
0x90: {  	s2 =	sld [smem:$0x3FD0];
	(tm) =	ssettm $0x1  }
0x91: {  	s18 =	sld [smem:$0x3FFB];
	_ =	sdelay $0x3  }
0x92: {  	_ =	strace s18  }
0x93: {  	s3 =	sld [smem:$0x3FFC];
	_ =	sdelay $0x3  }
0x94: {  	_ =	strace s3  }
0x95: {  	s3 =	sld [smem:$0x3FFD];
	_ =	sdelay $0x3  }
0x96: {  	_ =	strace s3  }
0x97: {  	_ =	strace $0x8FFFFFFF  }
0x98: {  	s19 =	sld [smem:$0x3FDB];
	_ =	sdelay $0x1  }
0x99: {  	s4 =	simm.s32 $_scs_section_size  }
0x9a: {  	s5 =	simm.s32 $_size__tile_overlayer_lowered;
	s6 =	simm.s32 $_tile_overlayer_lowered  }
0x9b: {  	s22 =	simm.s32 $0x1BFF;
	s21 =	sshll.u32 s6, $0x1;
	s3 =	sadd.s32 s4, s19  }
0x9c: {  	s7 =	simm.s32 $0x0;
	s20 =	sshll.u32 s5, $0x1;
	s5 =	sadd.s32 s21, s3  }
0x9d: {  	[timem:s7], [sflag:s22] =	dma.local [hbm:s5], s20  }
0x9e: {  	_ =	swait.ge [sflag:s22], s20  }
0x9f: {  	s4 =	ssub.s32 $0x0, s20;
	[sflag:s22] =	ssyncset.done $0x0  }
0xa0: {  	[sflag:s22] =	ssyncadd.s32 s4;
	_ =	sdelay $0x1  }
0xa1: {  	s23 =	simm.s32 $0x1B8B  }
0xa2: {  	_ =	swait.ge [sflag:s23], $0x1  }
0xa3: {  	[sflag:s23] =	ssyncset.done $0x0  }
0xa4: {  	s25 =	simm.s32 $0x1B8E;
	s24 =	sld [smem:$0x3FFE];
	[sflag:s23] =	ssyncadd.s32 $0xFFFFFFFF  }
0xa5: {  	s26 =	simm.s32 $execute0_lowered;
	[smem:$0x3FD2] =	sst s25  }
0xa6: {  	s5 =	sshll.u32 s26, $0x1;
	_ =	strace $0x80000046;
	[dreg:$0x1] =	wrdreg $0xFFFFFFFF  }
0xa7: {  	s28 =	simm.s32 $_size_execute0_lowered;
	s3 =	sadd.s32 s3, s5;
	[dreg:$0x0] =	wrdreg $0x0  }
0xa8: {  	s5 =	sshll.u32 s28, $0x1;
	[dreg:$0x2] =	wrdreg s3  }
0xa9: {  	[dreg:$0x3] =	wrdreg s5  }
0xaa: {  	[dreg:$0x4] =	wrdreg $0xC0  }
0xab: {  	_ =	task [dreg:s7], $0x5FFFF  }
0xac: {  	[dreg:$0x1] =	wrdreg $0xFFFFFFFF  }
0xad: {  	[dreg:$0x0] =	wrdreg $0x60  }
0xae: {  	[dreg:$0x2] =	wrdreg s24  }
0xaf: {  	[dreg:$0x3] =	wrdreg s2  }
0xb0: {  	[dreg:$0x4] =	wrdreg $0x9  }
0xb1: {  	_ =	task.clear_ibuf [dreg:s7], $0x5FFFF;
	_ =	strace $0x90000046  }
0xb2: {  	s29 =	simm.s32 $0x9;
	_ =	strace $0x80000048  }
0xb3: {  	_ =	swait.ge [sflag:s29], $0x1  }
0xb4: {  	[sflag:s29] =	ssyncadd.s32 $0xFFFFFFFF  }
0xb5: {  	_ =	strace $0x90000048  }
0xb6: {  	_ =	sfence  }
0xb7: {  	s30 =	sld [smem:$0x0];
	_ =	sdelay $0x2  }
0xb8: {  	s31 =	sshll.u32 s1, $0xD;
	s1 =	sshrl.u32 s1, $0x2  }
0xb9: {  	s3 =	sand.u32 $0x4000, s31;
	s1 =	sadd.s32 s1, s30  }
0xba: {  	s0 =	sor.u32 s3, s0;
	s1 =	sshll.u32 s1, $0x11  }
0xbb: {  	s0 =	sor.u32 s1, s0  }
0xbc: {  	s0 =	sadd.s32 $0x8F2B, s0  }
0xbd: {  	[sflag:s0] =	ssyncadd.remote.s32 $0x1  }
0xbe: {  	_ =	sfence.sel $0xFFFF  }
0xbf: {  	[dreg:$0x0] =	wrdreg $0xFFFFFFFF;
	(pc) =	sbr.abs _section_cstart, $3  }
0xc0: {  	[dreg:$0x1] =	wrdreg $0xFFFFFFFF  }
0xc1: {  	_ =	task.clear_ibuf [dreg:s7], $0x2FFFF;
	_ =	strace $0x9FFFFFFF  }
0xc2: {  	(tm) =	ssettm $0x7FFFFFFF  }
0xc3: {  	_ =	shalt  }
tec
execute0_lowered:
.L_overlay_start_1:
0x0: {  	(tag) =	ssettag $0x1  }
0x1: {  	s1 =	rddreg [dreg:$0x0]  }
0x2: {  	s2 =	srdreg.scid;
	s0 =	stileid.u32  }
0x3: {  	s5 =	rddreg [dreg:$0x1];
	s14 =	simm.s32 $0x3;
	s15 =	simm.s32 $0x500  }
0x4: {  	s16 =	simm.s32 $0x2800;
	s17 =	simm.s32 $0x5000;
	s18 =	simm.s32 $0x2D00  }
0x5: {  	s19 =	simm.s32 $0xF000;
	s20 =	simm.s32 $0x1;
	s21 =	simm.s32 $0x2  }
0x6: {  	s22 =	simm.s32 $0x3200;
	s23 =	simm.s32 $0x3700;
	s24 =	simm.s32 $0x3C00  }
0x7: {  	s25 =	simm.s32 $0x4100;
	s4 =	sand.u32 $0x1, s2;
	s3 =	sshll.u32 s0, $0x1  }
0x8: {  	s26 =	simm.s32 $0x4600;
	s28 =	simm.s32 $0x4B00;
	s6 =	sor.u32 s4, s3  }
0x9: {  	s29 =	simm.s32 $0x0;
	s2 =	simm.s32 $0x0;
	s7 =	smul.u32 $0x500, s6  }
0xa: {  	[smem:$0x7FF] =	sst s2;
	s4 =	ssub.s32 $0x2, s4;
	s8 =	smul.u32 $0x50000, s6  }
0xb: {  	s3 =	sadd.s32 $0xA800, s1;
	s6 =	smul.u32 $0xA000, s6;
	s31 =	sshrl.u32 s4, $0x1  }
0xc: {  	_ =	strace $0x80000047;
	s13 =	ssub.s32 s4, s31;
	s1 =	sadd.s32 s7, s1  }
0xd: {  	s8 =	sshrl.u32 s8, $0x3;
	s4 =	sadd.s32 s5, s6;
	s13 =	smax.u32 s13, $0x1  }
0xe: {  	s12 =	sadd.s32 s5, s8;
	s5 =	sadd.s32 $0x800, s1;
	s6 =	sadd.s32 $0x1400, s4  }
0xf: {  	s7 =	sadd.s32 $0x2800, s12;
	s8 =	sadd.s32 $0x3C00, s12;
	s9 =	sadd.s32 $0x5000, s12  }
0x10: {  	s10 =	sadd.s32 $0x6400, s12;
	s11 =	sadd.s32 $0x7800, s12;
	s12 =	sadd.s32 $0x8C00, s12  }
.LBB2_1:
0x11: {  	[tilespmem:s2], [sflag:$0x3] =	stream.linear.gather [hbm4b:s5+s2], $0x2800, $0x38;
	[tilespmem:$0x19000] =	vst v63  }
0x12: {  	_ =	swait.ge [sflag:s14], $0x2800  }
0x13: {  	[sflag:s14] =	ssyncset.done $0x0  }
0x14: {  	s30 =	simm.s32 $0x0;
	[sflag:s14] =	ssyncadd.s32 $0xFFFFD800  }
0x15: {  	s1 =	simm.s32 $0x40;
	v0 =	vld [tilespmem:s30+$0x0]  }
.LBB2_2:
0x16: {  	_ =	sdelay $0x1  }
0x17: {  	p0 =	sne.s32 s1, $0x13C0  }
.Ltmp0:
0x18: {  	_ = 	snop;
	(pc) =	sbr.rel @p0 .LBB2_2-.Ltmp0, $4  }
0x19: {  	v1 =	vshll.u32 v0, $0x2  }
0x1a: {  	v2 =	vshra.s32 v0, $0x12;
	v1 =	vand.u32 $0xFFFFC, v1  }
0x1b: {  	s31 =	sshra.s32 s1, $0x2;
	v1 =	vor.u32 v2, v1  }
0x1c: {  	s1 =	sadd.s32 $0x40, s1;
	v0 =	vld [tilespmem:s31+$0x0];
	[tilespmem:s30+$0x2800] =	vst v1;
	s30 =	smov.u32 s31  }
0x1d: {  	_ =	sdelay $0x3  }
0x1e: {  	v1 =	vshll.u32 v0, $0x2  }
0x1f: {  	v0 =	vshra.s32 v0, $0x12;
	v1 =	vand.u32 $0xFFFFC, v1  }
0x20: {  	v0 =	vor.u32 v0, v1  }
0x21: {  	[tilespmem:s30+$0x2800] =	vst v0;
	s30 =	simm.s32 $0x0  }
0x22: {  	s1 =	simm.s32 $0x40;
	s31 =	simm.s32 $0x0;
	v0 =	vld [tilespmem:s30+$0x500]  }
.LBB2_4:
0x23: {  	_ =	sdelay $0x1  }
0x24: {  	p0 =	sne.s32 s1, $0x13C0  }
.Ltmp1:
0x25: {  	_ = 	snop;
	(pc) =	sbr.rel @p0 .LBB2_4-.Ltmp1, $4  }
0x26: {  	v1 =	vshll.u32 v0, $0x2  }
0x27: {  	v2 =	vshra.s32 v0, $0x12;
	v1 =	vand.u32 $0xFFFFC, v1  }
0x28: {  	s0 =	sshra.s32 s1, $0x2;
	v1 =	vor.u32 v2, v1  }
0x29: {  	s1 =	sadd.s32 $0x40, s1;
	v0 =	vld [tilespmem:s0+$0x500];
	[tilespmem:s31+$0x2D00] =	vst v1;
	s31 =	smov.u32 s0  }
0x2a: {  	_ =	sdelay $0x3  }
0x2b: {  	v1 =	vshll.u32 v0, $0x2  }
0x2c: {  	v0 =	vshra.s32 v0, $0x12;
	v1 =	vand.u32 $0xFFFFC, v1  }
0x2d: {  	v0 =	vor.u32 v0, v1  }
0x2e: {  	[tilespmem:s31+$0x2D00] =	vst v0  }
0x2f: {  	s1 =	simm.s32 $0x40;
	v0 =	vld [tilespmem:s30+$0xA00]  }
.LBB2_6:
0x30: {  	_ =	sdelay $0x1  }
0x31: {  	p0 =	sne.s32 s1, $0x13C0  }
.Ltmp2:
0x32: {  	_ = 	snop;
	(pc) =	sbr.rel @p0 .LBB2_6-.Ltmp2, $4  }
0x33: {  	v1 =	vshll.u32 v0, $0x2  }
0x34: {  	v2 =	vshra.s32 v0, $0x12;
	v1 =	vand.u32 $0xFFFFC, v1  }
0x35: {  	s0 =	sshra.s32 s1, $0x2;
	v1 =	vor.u32 v2, v1  }
0x36: {  	s1 =	sadd.s32 $0x40, s1;
	v0 =	vld [tilespmem:s0+$0xA00];
	[tilespmem:s30+$0x3200] =	vst v1;
	s30 =	smov.u32 s0  }
0x37: {  	_ =	sdelay $0x3  }
0x38: {  	v1 =	vshll.u32 v0, $0x2  }
0x39: {  	v0 =	vshra.s32 v0, $0x12;
	v1 =	vand.u32 $0xFFFFC, v1  }
0x3a: {  	v0 =	vor.u32 v0, v1  }
0x3b: {  	[tilespmem:s30+$0x3200] =	vst v0;
	s30 =	simm.s32 $0x0  }
0x3c: {  	s1 =	simm.s32 $0x40;
	s31 =	simm.s32 $0x0;
	v0 =	vld [tilespmem:s30+$0xF00]  }
.LBB2_8:
0x3d: {  	_ =	sdelay $0x1  }
0x3e: {  	p0 =	sne.s32 s1, $0x13C0  }
.Ltmp3:
0x3f: {  	_ = 	snop;
	(pc) =	sbr.rel @p0 .LBB2_8-.Ltmp3, $4  }
0x40: {  	v1 =	vshll.u32 v0, $0x2  }
0x41: {  	v2 =	vshra.s32 v0, $0x12;
	v1 =	vand.u32 $0xFFFFC, v1  }
0x42: {  	s0 =	sshra.s32 s1, $0x2;
	v1 =	vor.u32 v2, v1  }
0x43: {  	s1 =	sadd.s32 $0x40, s1;
	v0 =	vld [tilespmem:s0+$0xF00];
	[tilespmem:s31+$0x3700] =	vst v1;
	s31 =	smov.u32 s0  }
0x44: {  	_ =	sdelay $0x3  }
0x45: {  	v1 =	vshll.u32 v0, $0x2  }
0x46: {  	v0 =	vshra.s32 v0, $0x12;
	v1 =	vand.u32 $0xFFFFC, v1  }
0x47: {  	v0 =	vor.u32 v0, v1  }
0x48: {  	[tilespmem:s31+$0x3700] =	vst v0  }
0x49: {  	s1 =	simm.s32 $0x40;
	v0 =	vld [tilespmem:s30+$0x1400]  }
.LBB2_10:
0x4a: {  	_ =	sdelay $0x1  }
0x4b: {  	p0 =	sne.s32 s1, $0x13C0  }
.Ltmp4:
0x4c: {  	_ = 	snop;
	(pc) =	sbr.rel @p0 .LBB2_10-.Ltmp4, $4  }
0x4d: {  	v1 =	vshll.u32 v0, $0x2  }
0x4e: {  	v2 =	vshra.s32 v0, $0x12;
	v1 =	vand.u32 $0xFFFFC, v1  }
0x4f: {  	s0 =	sshra.s32 s1, $0x2;
	v1 =	vor.u32 v2, v1  }
0x50: {  	s1 =	sadd.s32 $0x40, s1;
	v0 =	vld [tilespmem:s0+$0x1400];
	[tilespmem:s30+$0x3C00] =	vst v1;
	s30 =	smov.u32 s0  }
0x51: {  	_ =	sdelay $0x3  }
0x52: {  	v1 =	vshll.u32 v0, $0x2  }
0x53: {  	v0 =	vshra.s32 v0, $0x12;
	v1 =	vand.u32 $0xFFFFC, v1  }
0x54: {  	v0 =	vor.u32 v0, v1  }
0x55: {  	[tilespmem:s30+$0x3C00] =	vst v0;
	s30 =	simm.s32 $0x0  }
0x56: {  	s1 =	simm.s32 $0x40;
	s31 =	simm.s32 $0x0;
	v0 =	vld [tilespmem:s30+$0x1900]  }
.LBB2_12:
0x57: {  	_ =	sdelay $0x1  }
0x58: {  	p0 =	sne.s32 s1, $0x13C0  }
.Ltmp5:
0x59: {  	_ = 	snop;
	(pc) =	sbr.rel @p0 .LBB2_12-.Ltmp5, $4  }
0x5a: {  	v1 =	vshll.u32 v0, $0x2  }
0x5b: {  	v2 =	vshra.s32 v0, $0x12;
	v1 =	vand.u32 $0xFFFFC, v1  }
0x5c: {  	s0 =	sshra.s32 s1, $0x2;
	v1 =	vor.u32 v2, v1  }
0x5d: {  	s1 =	sadd.s32 $0x40, s1;
	v0 =	vld [tilespmem:s0+$0x1900];
	[tilespmem:s31+$0x4100] =	vst v1;
	s31 =	smov.u32 s0  }
0x5e: {  	_ =	sdelay $0x3  }
0x5f: {  	v1 =	vshll.u32 v0, $0x2  }
0x60: {  	v0 =	vshra.s32 v0, $0x12;
	v1 =	vand.u32 $0xFFFFC, v1  }
0x61: {  	v0 =	vor.u32 v0, v1  }
0x62: {  	[tilespmem:s31+$0x4100] =	vst v0  }
0x63: {  	s1 =	simm.s32 $0x40;
	v0 =	vld [tilespmem:s30+$0x1E00]  }
.LBB2_14:
0x64: {  	_ =	sdelay $0x1  }
0x65: {  	p0 =	sne.s32 s1, $0x13C0  }
.Ltmp6:
0x66: {  	_ = 	snop;
	(pc) =	sbr.rel @p0 .LBB2_14-.Ltmp6, $4  }
0x67: {  	v1 =	vshll.u32 v0, $0x2  }
0x68: {  	v2 =	vshra.s32 v0, $0x12;
	v1 =	vand.u32 $0xFFFFC, v1  }
0x69: {  	s0 =	sshra.s32 s1, $0x2;
	v1 =	vor.u32 v2, v1  }
0x6a: {  	s1 =	sadd.s32 $0x40, s1;
	v0 =	vld [tilespmem:s0+$0x1E00];
	[tilespmem:s30+$0x4600] =	vst v1;
	s30 =	smov.u32 s0  }
0x6b: {  	_ =	sdelay $0x3  }
0x6c: {  	v1 =	vshll.u32 v0, $0x2  }
0x6d: {  	v0 =	vshra.s32 v0, $0x12;
	v1 =	vand.u32 $0xFFFFC, v1  }
0x6e: {  	v0 =	vor.u32 v0, v1  }
0x6f: {  	[tilespmem:s30+$0x4600] =	vst v0;
	s30 =	simm.s32 $0x0  }
0x70: {  	s1 =	simm.s32 $0x40;
	v0 =	vld [tilespmem:s30+$0x2300]  }
.LBB2_16:
0x71: {  	_ =	sdelay $0x1  }
0x72: {  	p0 =	sne.s32 s1, $0x13C0  }
.Ltmp7:
0x73: {  	_ = 	snop;
	(pc) =	sbr.rel @p0 .LBB2_16-.Ltmp7, $4  }
0x74: {  	v1 =	vshll.u32 v0, $0x2  }
0x75: {  	v2 =	vshra.s32 v0, $0x12;
	v1 =	vand.u32 $0xFFFFC, v1  }
0x76: {  	s0 =	sshra.s32 s1, $0x2;
	v1 =	vor.u32 v2, v1  }
0x77: {  	s1 =	sadd.s32 $0x40, s1;
	v0 =	vld [tilespmem:s0+$0x2300];
	[tilespmem:s30+$0x4B00] =	vst v1;
	s30 =	smov.u32 s0  }
0x78: {  	_ =	sdelay $0x3  }
0x79: {  	v1 =	vshll.u32 v0, $0x2  }
0x7a: {  	v63 =	vshra.s32 v0, $0x12;
	v1 =	vand.u32 $0xFFFFC, v1  }
0x7b: {  	v0 =	vor.u32 v63, v1  }
0x7c: {  	[tilespmem:s30+$0x4B00] =	vst v0  }
0x7d: {  	[tilespmem:s17], [sflag:$0x1] =	stream.indirect.gather [hbm4b:s3+s15], $0x20, s16, s15, $0xb8;
	[tilespmem:$0x19000] =	vst v63  }
0x7e: {  	_ = 	snop  }
0x7f: {  	[tilespmem:s19], [sflag:$0x1] =	stream.indirect.gather [hbm4b:s3+s15], $0x20, s18, s15, $0xb8;
	[tilespmem:$0x19000] =	vst v63  }
0x80: {  	_ =	swait.ge [sflag:s20], $0xA000  }
0x81: {  	[sflag:s20] =	ssyncset.done $0x0  }
0x82: {  	[sflag:s20] =	ssyncadd.s32 $0xFFFF6000  }
0x83: {  	[hbm4b:s4+s2] =	stream.linear.scatter [tilespmem:s17], [sflag:$0x2], $0xA000, $0x38;
	[tilespmem:$0x19000] =	vst v63  }
0x84: {  	_ =	swait.ge [sflag:s21], $0xA000  }
0x85: {  	[sflag:s21] =	ssyncset.done $0x0  }
0x86: {  	[sflag:s21] =	ssyncadd.s32 $0xFFFF6000  }
0x87: {  	[tilespmem:s17], [sflag:$0x1] =	stream.indirect.gather [hbm4b:s3+s15], $0x20, s22, s15, $0xb8;
	[tilespmem:$0x19000] =	vst v63  }
0x88: {  	_ =	swait.ge [sflag:s20], $0xA000  }
0x89: {  	[sflag:s20] =	ssyncset.done $0x0  }
0x8a: {  	[sflag:s20] =	ssyncadd.s32 $0xFFFF6000  }
0x8b: {  	[hbm4b:s6+s2] =	stream.linear.scatter [tilespmem:s19], [sflag:$0x2], $0xA000, $0x38;
	[tilespmem:$0x19000] =	vst v63  }
0x8c: {  	_ =	swait.ge [sflag:s21], $0xA000  }
0x8d: {  	[sflag:s21] =	ssyncset.done $0x0  }
0x8e: {  	[sflag:s21] =	ssyncadd.s32 $0xFFFF6000  }
0x8f: {  	[tilespmem:s19], [sflag:$0x1] =	stream.indirect.gather [hbm4b:s3+s15], $0x20, s23, s15, $0xb8;
	[tilespmem:$0x19000] =	vst v63  }
0x90: {  	_ =	swait.ge [sflag:s20], $0xA000  }
0x91: {  	[sflag:s20] =	ssyncset.done $0x0  }
0x92: {  	[sflag:s20] =	ssyncadd.s32 $0xFFFF6000  }
0x93: {  	[hbm4b:s7+s2] =	stream.linear.scatter [tilespmem:s17], [sflag:$0x2], $0xA000, $0x38;
	[tilespmem:$0x19000] =	vst v63  }
0x94: {  	_ =	swait.ge [sflag:s21], $0xA000  }
0x95: {  	[sflag:s21] =	ssyncset.done $0x0  }
0x96: {  	[sflag:s21] =	ssyncadd.s32 $0xFFFF6000  }
0x97: {  	[tilespmem:s17], [sflag:$0x1] =	stream.indirect.gather [hbm4b:s3+s15], $0x20, s24, s15, $0xb8;
	[tilespmem:$0x19000] =	vst v63  }
0x98: {  	_ =	swait.ge [sflag:s20], $0xA000  }
0x99: {  	[sflag:s20] =	ssyncset.done $0x0  }
0x9a: {  	[sflag:s20] =	ssyncadd.s32 $0xFFFF6000  }
0x9b: {  	[hbm4b:s8+s2] =	stream.linear.scatter [tilespmem:s19], [sflag:$0x2], $0xA000, $0x38;
	[tilespmem:$0x19000] =	vst v63  }
0x9c: {  	_ =	swait.ge [sflag:s21], $0xA000  }
0x9d: {  	[sflag:s21] =	ssyncset.done $0x0  }
0x9e: {  	[sflag:s21] =	ssyncadd.s32 $0xFFFF6000  }
0x9f: {  	[tilespmem:s19], [sflag:$0x1] =	stream.indirect.gather [hbm4b:s3+s15], $0x20, s25, s15, $0xb8;
	[tilespmem:$0x19000] =	vst v63  }
0xa0: {  	_ =	swait.ge [sflag:s20], $0xA000  }
0xa1: {  	[sflag:s20] =	ssyncset.done $0x0  }
0xa2: {  	[sflag:s20] =	ssyncadd.s32 $0xFFFF6000  }
0xa3: {  	[hbm4b:s9+s2] =	stream.linear.scatter [tilespmem:s17], [sflag:$0x2], $0xA000, $0x38;
	[tilespmem:$0x19000] =	vst v63  }
0xa4: {  	_ =	swait.ge [sflag:s21], $0xA000  }
0xa5: {  	[sflag:s21] =	ssyncset.done $0x0  }
0xa6: {  	[sflag:s21] =	ssyncadd.s32 $0xFFFF6000  }
0xa7: {  	[tilespmem:s17], [sflag:$0x1] =	stream.indirect.gather [hbm4b:s3+s15], $0x20, s26, s15, $0xb8;
	[tilespmem:$0x19000] =	vst v63  }
0xa8: {  	_ =	swait.ge [sflag:s20], $0xA000  }
0xa9: {  	[sflag:s20] =	ssyncset.done $0x0  }
0xaa: {  	[sflag:s20] =	ssyncadd.s32 $0xFFFF6000  }
0xab: {  	[hbm4b:s10+s2] =	stream.linear.scatter [tilespmem:s19], [sflag:$0x2], $0xA000, $0x38;
	[tilespmem:$0x19000] =	vst v63  }
0xac: {  	_ =	swait.ge [sflag:s21], $0xA000  }
0xad: {  	[sflag:s21] =	ssyncset.done $0x0  }
0xae: {  	[sflag:s21] =	ssyncadd.s32 $0xFFFF6000  }
0xaf: {  	[tilespmem:s19], [sflag:$0x1] =	stream.indirect.gather [hbm4b:s3+s15], $0x20, s28, s15, $0xb8;
	[tilespmem:$0x19000] =	vst v63  }
0xb0: {  	_ =	swait.ge [sflag:s20], $0xA000  }
0xb1: {  	[sflag:s20] =	ssyncset.done $0x0  }
0xb2: {  	[sflag:s20] =	ssyncadd.s32 $0xFFFF6000  }
0xb3: {  	[hbm4b:s11+s2] =	stream.linear.scatter [tilespmem:s17], [sflag:$0x2], $0xA000, $0x38;
	[tilespmem:$0x19000] =	vst v63  }
0xb4: {  	_ =	swait.ge [sflag:s21], $0xA000  }
0xb5: {  	[sflag:s21] =	ssyncset.done $0x0  }
0xb6: {  	[sflag:s21] =	ssyncadd.s32 $0xFFFF6000  }
0xb7: {  	s29 =	sadd.s32 $0x1, s29;
	_ =	swait.ge [sflag:s20], $0xA000  }
0xb8: {  	p0 =	sne.s32 s29, s13;
	[sflag:s20] =	ssyncset.done $0x0  }
.Ltmp8:
0xb9: {  	[sflag:s20] =	ssyncadd.s32 $0xFFFF6000;
	(pc) =	sbr.rel @p0 .LBB2_1-.Ltmp8, $4  }
0xba: {  	[hbm4b:s12+s2] =	stream.linear.scatter [tilespmem:s19], [sflag:$0x2], $0xA000, $0x38;
	[tilespmem:$0x19000] =	vst v63  }
0xbb: {  	_ =	swait.ge [sflag:s21], $0xA000  }
0xbc: {  	[sflag:s21] =	ssyncset.done $0x0  }
0xbd: {  	[sflag:s21] =	ssyncadd.s32 $0xFFFF6000  }
0xbe: {  	_ =	sfence.sel $0x180000  }
0xbf: {  	[bflag:$0x0] =	sbarrier.arrive $0xFFFF  }
0xc0: {  	_ =	strace $0x90000047  }
0xc1: {  	s0 =	stileid.u32;
	[bflag:$0x2] =	sbarrier.arrive $0xFFFF  }
0xc2: {  	p0 =	sne.s32 s0, $0x0;
	s0 =	rddreg [dreg:$0x2]  }
0xc3: {  	s0 =	sadd.s32 @!p0 $0x100000, s0  }
0xc4: {  	[sflag:s0] =	ssyncadd.tile.s32 @!p0 $0x1;
	_ =	shalt  }
.Lfunc_end2:
_tile_overlayer_lowered:
.L_overlay_start_2:
0xc5: {  	(tag) =	ssettag $0x2  }
0xc6: {  	s0 =	rddreg [dreg:$0x0];
	s2 =	stileid.u32  }
0xc7: {  	s1 =	rddreg [dreg:$0x1];
	p0 =	sne.s32 s2, $0x0  }
0xc8: {  	s3 =	rddreg [dreg:$0x2];
	[bflag:$0x3] =	sbarrier.arrive $0xFFFF;
	s2 =	simm.s32 @!p0 $0x1C03  }
0xc9: {  	[timem:s3], [sflag:s2] =	dma.local @!p0 [hbm:s0], s1  }
0xca: {  	s0 =	simm.s32 @!p0 $0x3  }
0xcb: {  	_ =	swait.ge @!p0 [sflag:s0], s1  }
0xcc: {  	s1 =	ssub.s32 @!p0 $0x0, s1;
	[sflag:s0] =	ssyncset.done @!p0 $0x0  }
0xcd: {  	[sflag:s0] =	ssyncadd.s32 @!p0 s1  }
0xce: {  	[bflag:$0x3] =	sbarrier.arrive $0xFFFF  }
0xcf: {  	_ =	shalt  }

// kernel: sparse-core-data-format-call.cloned.1.call-start
scs
called_computation_lowered:
.L_overlay_start_0:
0x0: {  	s2 =	sld [smem:$0x3FD9]  }
0x1: {  	s3 =	sld [smem:$0x3FFE];
	_ =	sdelay $0x1  }
0x2: {  	s1 =	srdreg.scid  }
0x3: {  	s0 =	sand.u32 $0x1, s1  }
0x4: {  	s18 =	sshll.u32 s0, $0xA;
	s2 =	sadd.s32 s3, s2  }
0x5: {  	s2 =	sadd.s32 s2, s18  }
0x6: {  	[smem:$0x3FC6] =	sst s2  }
0x7: {  	_ = 	snop  }
0x8: {  	s2 =	sld [smem:$0x3FD0];
	(tm) =	ssettm $0x1  }
0x9: {  	s19 =	sld [smem:$0x3FFB];
	_ =	sdelay $0x3  }
0xa: {  	_ =	strace s19  }
0xb: {  	s3 =	sld [smem:$0x3FFC];
	_ =	sdelay $0x3  }
0xc: {  	_ =	strace s3  }
0xd: {  	s3 =	sld [smem:$0x3FFD];
	_ =	sdelay $0x3  }
0xe: {  	_ =	strace s3  }
0xf: {  	_ =	strace $0x8FFFFFFF  }
0x10: {  	s20 =	sld [smem:$0x3FDB];
	_ =	sdelay $0x1  }
0x11: {  	s4 =	simm.s32 $_scs_section_size  }
0x12: {  	s5 =	simm.s32 $_size__tile_overlayer_lowered;
	s6 =	simm.s32 $_tile_overlayer_lowered  }
0x13: {  	s23 =	simm.s32 $0x1BFF;
	s22 =	sshll.u32 s6, $0x1;
	s3 =	sadd.s32 s4, s20  }
0x14: {  	s7 =	simm.s32 $0x0;
	s21 =	sshll.u32 s5, $0x1;
	s5 =	sadd.s32 s22, s3  }
0x15: {  	[timem:s7], [sflag:s23] =	dma.local [hbm:s5], s21  }
0x16: {  	_ =	swait.ge [sflag:s23], s21  }
0x17: {  	s4 =	ssub.s32 $0x0, s21;
	[sflag:s23] =	ssyncset.done $0x0  }
0x18: {  	[sflag:s23] =	ssyncadd.s32 s4;
	_ =	sdelay $0x1  }
0x19: {  	s24 =	simm.s32 $0x1B8B  }
0x1a: {  	_ =	swait.ge [sflag:s24], $0x1  }
0x1b: {  	[sflag:s24] =	ssyncset.done $0x0  }
0x1c: {  	s26 =	simm.s32 $0x1B8E;
	s25 =	sld [smem:$0x3FFE];
	[sflag:s24] =	ssyncadd.s32 $0xFFFFFFFF  }
0x1d: {  	s27 =	simm.s32 $execute0_lowered;
	[smem:$0x3FD2] =	sst s26  }
0x1e: {  	s5 =	sshll.u32 s27, $0x1;
	_ =	strace $0x80000049;
	[dreg:$0x1] =	wrdreg $0xFFFFFFFF  }
0x1f: {  	s28 =	simm.s32 $_size_execute0_lowered;
	s3 =	sadd.s32 s3, s5;
	[dreg:$0x0] =	wrdreg $0x0  }
0x20: {  	s5 =	sshll.u32 s28, $0x1;
	[dreg:$0x2] =	wrdreg s3  }
0x21: {  	[dreg:$0x3] =	wrdreg s5  }
0x22: {  	[dreg:$0x4] =	wrdreg $0xC0  }
0x23: {  	_ =	task [dreg:s7], $0x5FFFF  }
0x24: {  	[dreg:$0x1] =	wrdreg $0xFFFFFFFF  }
0x25: {  	[dreg:$0x0] =	wrdreg $0x60  }
0x26: {  	[dreg:$0x2] =	wrdreg s25  }
0x27: {  	[dreg:$0x3] =	wrdreg s2  }
0x28: {  	[dreg:$0x4] =	wrdreg $0x9  }
0x29: {  	_ =	task.clear_ibuf [dreg:s7], $0x5FFFF;
	_ =	strace $0x90000049  }
0x2a: {  	s29 =	simm.s32 $0x9;
	_ =	strace $0x8000004B  }
0x2b: {  	_ =	swait.ge [sflag:s29], $0x1  }
0x2c: {  	[sflag:s29] =	ssyncadd.s32 $0xFFFFFFFF  }
0x2d: {  	_ =	strace $0x9000004B  }
0x2e: {  	_ =	sfence  }
0x2f: {  	s30 =	sld [smem:$0x0];
	_ =	sdelay $0x2  }
0x30: {  	s31 =	sshll.u32 s1, $0xD;
	s1 =	sshrl.u32 s1, $0x2  }
0x31: {  	s3 =	sand.u32 $0x4000, s31;
	s1 =	sadd.s32 s1, s30  }
0x32: {  	s0 =	sor.u32 s3, s0;
	s1 =	sshll.u32 s1, $0x11  }
0x33: {  	s0 =	sor.u32 s1, s0  }
0x34: {  	s0 =	sadd.s32 $0x8F2B, s0  }
0x35: {  	[sflag:s0] =	ssyncadd.remote.s32 $0x1  }
0x36: {  	_ =	sfence.sel $0xFFFF  }
0x37: {  	[dreg:$0x0] =	wrdreg $0xFFFFFFFF;
	(pc) =	sbr.abs _section_cstart, $3  }
0x38: {  	[dreg:$0x1] =	wrdreg $0xFFFFFFFF  }
0x39: {  	_ =	task.clear_ibuf [dreg:s7], $0x2FFFF;
	_ =	strace $0x9FFFFFFF  }
0x3a: {  	(tm) =	ssettm $0x7FFFFFFF  }
0x3b: {  	_ =	shalt  }
tec
execute0_lowered:
.L_overlay_start_1:
0x0: {  	(tag) =	ssettag $0x1  }
0x1: {  	s0 =	srdreg.scid  }
0x2: {  	s1 =	sshll.u32 s0, $0x4  }
0x3: {  	s0 =	stileid.u32;
	s1 =	sand.u32 $0x10, s1  }
0x4: {  	s1 =	sor.u32 s0, s1  }
0x5: {  	s6 =	rddreg [dreg:$0x0];
	s4 =	simm.s32 $0x1;
	s2 =	sshll.u32 s1, $0x7  }
0x6: {  	s7 =	simm.s32 $0x2;
	s12 =	simm.s32 $0x0;
	s1 =	ssub.s32 $0x4000, s2  }
0x7: {  	s8 =	simm.s32 $0x20000;
	s13 =	simm.s32 $0x0;
	s3 =	sand.u32 $0xF80, s1  }
0x8: {  	s9 =	simm.s32 $0x0;
	s5 =	sshrl.u32 s1, $0xC;
	p0 =	sne.s32 s3, $0x0  }
.Ltmp0:
0x9: {  	s1 =	rddreg [dreg:$0x2];
	s4 =	simm.s32 @!p0 $0x0;
	(pc) =	sbr.rel .LBB1_1-.Ltmp0, $4  }
0xa: {  	s11 =	simm.s32 $0x0;
	s3 =	rddreg [dreg:$0x1];
	s5 =	sadd.s32 s4, s5  }
0xb: {  	_ =	strace $0x8000004A;
	s4 =	simm.s32 $0x1;
	s5 =	smul.u32 $0x14, s5  }
0xc: {  	s6 =	sadd.s32 $0x800, s6;
	s10 =	smov.u32 s2;
	[sflag:s4] =	ssyncpa.u1 $0x0  }
0xd: {  	p0 =	por $0x0, $0x0;
	[sflag:s7] =	ssyncpa.u1 $0x0;
	s7 =	sor.u32 $0x1, s5  }
.LBB1_4:
0xe: {  	s16 =	sshll.u32 s13, $0x3;
	s17 =	sand.u32 $0x78, s13  }
0xf: {  	s30 =	sand.u32 $0xF800, s13;
	s12 =	sshll.u32 s12, $0x10;
	s16 =	sand.u32 $0x3C00, s16  }
0x10: {  	s31 =	sand.u32 $0x7, s13;
	s16 =	sor.u32 s17, s16;
	s17 =	sadd.s32 s3, s30  }
0x11: {  	s13 =	sshll.u32 s31, $0x12;
	s16 =	sshrl.u32 s16, $0x3;
	s12 =	sadd.s32 s12, s17  }
0x12: {  	[tilespmem:s15+$0x0 ss:$0x81] =	vst.msk $0xffff, v0;
	s13 =	sor.u32 $0x400, s13;
	s12 =	sadd.s32 s16, s12  }
0x13: {  	[hbm4b:s12+s13] =	stream.strided.scatter [tilespmem:s14], [sflag:$0x2], $0x1000, s8, s13, $0x20;
	[tilespmem:$0x4040] =	vst v63  }
.LBB1_5:
0x14: {  	s14 =	sadd.s32 $0x1, s9  }
0x15: {  	s12 =	sadd.s32 $0x1000, s10;
	s16 =	smov.u32 s10;
	p2 =	sgt.s32 s14, $0x13  }
0x16: {  	s16 =	smov.u32 @p2 s12  }
0x17: {  	s14 =	simm.s32 @p2 $0x0;
	p2 =	sgt.s32 s16, $0x3FFF  }
0x18: {  	s16 =	smov.u32 @p2 s2;
	p2 =	sne.s32 s11, s7  }
.Ltmp1:
0x19: {  	p1 =	slt.u32 s11, $0x2;
	(pc) =	sbr.rel @!p2 .LBB1_6-.Ltmp1, $4  }
0x1a: {  	s15 =	simm.s32 @!p1 $0x2  }
0x1b: {  	s13 =	smov.u32 s10;
	p0 =	por !p0, !p0;
	_ =	swait.ge @!p1 [sflag:s15], $0x1000  }
0x1c: {  	s12 =	smov.u32 s9;
	[sflag:s15] =	ssyncset.done @!p1 $0x0;
	s9 =	smov.u32 s14  }
0x1d: {  	s11 =	sadd.s32 $0x1, s11;
	[sflag:s15] =	ssyncadd.s32 @!p1 $0xFFFFF000;
	s10 =	smov.u32 s16  }
.LBB1_1:
0x1e: {  	p1 =	sge.u32 s11, s5  }
0x1f: {  	s14 =	sand.u32 @!p1 $0x1FFFFFF, s9  }
0x20: {  	s15 =	smulhi.u32 @!p1 $0xAAAAAAB, s14;
	_ =	sdelay $0x1  }
0x21: {  	s15 =	smul.u32 @!p1 $0x18, s15  }
0x22: {  	s16 =	sxor.u32 @!p1 $0xFFFFFFFF, s11;
	s17 =	smul.u32 @!p1 $0x180, s10  }
0x23: {  	s31 =	sadd.s32 $0xFFFFFFFF, s11;
	s16 =	sshll.u32 @!p1 s16, $0xC;
	s14 =	ssub.s32 @!p1 s14, s15  }
0x24: {  	s15 =	sand.u32 @!p1 $0x1000, s16;
	s16 =	sadd.s32 @!p1 s6, s17;
	s14 =	sshll.u32 @!p1 s14, $0x4  }
0x25: {  	s17 =	simm.s32 @!p1 $0xC00;
	s14 =	sadd.s32 @!p1 s14, s16;
	s16 =	simm.s32 @!p1 $0x20  }
0x26: {  	[tilespmem:s15], [sflag:$0x1] =	stream.strided.gather @!p1 [hbm4b:s14+s16], $0x1000, s17, s16, $0x38;
	[tilespmem:$0x4040] =	vst v63  }
0x27: {  	p1 =	sge.u32 s31, s5  }
.Ltmp2:
0x28: {  	_ = 	snop;
	(pc) =	sbr.rel @p1 .LBB1_5-.Ltmp2, $1  }
0x29: {  	_ =	sdelay $0x3  }
0x2a: {  	s14 =	simm.s32 $0x1  }
0x2b: {  	_ =	swait.ge [sflag:s4], $0x1000;
	s14 =	simm.s32 @!p0 $0x0  }
0x2c: {  	[sflag:s4] =	ssyncset.done $0x0;
	s15 =	sshll.u32 s14, $0xC  }
0x2d: {  	[sflag:s4] =	ssyncadd.s32 $0xFFFFF000;
	s18 =	sor.u32 $0x10, s15  }
0x2e: {  	s14 =	smul.u32 $0x4080, s14;
	v1 =	vld [tilespmem:s18+$0x0]  }
0x2f: {  	s30 =	sand.u32 $0x1, s11;
	v0 =	vld [tilespmem:s18+$0xFFFFFFF0]  }
0x30: {  	s15 =	smul.u32 $0x4080, s30;
	s14 =	sshrl.u32 s14, $0x2  }
0x31: {  	s16 =	sor.u32 $0x2000, s14  }
0x32: {  	s31 =	sshrl.u32 s15, $0x2;
	s15 =	sadd.s32 $0x0, s16  }
0x33: {  	s17 =	simm.s32 $0x4;
	s18 =	sadd.s32 $0x20, s18;
	s14 =	sor.u32 $0x2000, s31;
	[tilespmem:s15+$0x810 ss:$0x81] =	vst.msk $0xffff, v1  }
.LBB1_3:
0x34: {  	v1 =	vld [tilespmem:s18+$0x0];
	p1 =	sne.s32 s17, $0x1FC;
	[tilespmem:s15+$0x0 ss:$0x81] =	vst.msk $0xffff, v0;
	s15 =	smov.u32 s17;
	s17 =	sadd.s32 $0x4, s17  }
.Ltmp3:
0x35: {  	v0 =	vld [tilespmem:s18+$0xFFFFFFF0];
	(pc) =	sbr.rel @p1 .LBB1_3-.Ltmp3, $4  }
0x36: {  	_ = 	snop  }
0x37: {  	s15 =	sshra.s32 s15, $0x2  }
0x38: {  	s15 =	sadd.s32 s15, s16  }
0x39: {  	s18 =	sadd.s32 $0x20, s18;
	[tilespmem:s15+$0x810 ss:$0x81] =	vst.msk $0xffff, v1  }
.Ltmp4:
0x3a: {  	_ = 	snop;
	(pc) =	sbr.rel .LBB1_4-.Ltmp4, $1  }
0x3b: {  	_ =	sdelay $0x3  }
.LBB1_6:
0x3c: {  	_ =	sfence.sel $0x180000  }
0x3d: {  	s2 =	simm.s32 $0x1;
	[bflag:$0x0] =	sbarrier.arrive $0xFFFF  }
0x3e: {  	s31 =	simm.s32 $0x2;
	[sflag:s2] =	ssyncpa.u1 $0x1  }
0x3f: {  	[sflag:s31] =	ssyncpa.u1 $0x1  }
0x40: {  	p0 =	sne.s32 s0, $0x0;
	_ =	strace $0x9000004A  }
0x41: {  	s0 =	sadd.s32 @!p0 $0x100000, s1;
	[bflag:$0x2] =	sbarrier.arrive $0xFFFF  }
0x42: {  	[sflag:s0] =	ssyncadd.tile.s32 @!p0 $0x1;
	_ =	shalt  }
.Lfunc_end1:
_tile_overlayer_lowered:
.L_overlay_start_2:
0x43: {  	(tag) =	ssettag $0x2  }
0x44: {  	s0 =	rddreg [dreg:$0x0];
	s2 =	stileid.u32  }
0x45: {  	s1 =	rddreg [dreg:$0x1];
	p0 =	sne.s32 s2, $0x0  }
0x46: {  	s3 =	rddreg [dreg:$0x2];
	[bflag:$0x3] =	sbarrier.arrive $0xFFFF;
	s2 =	simm.s32 @!p0 $0x1C01  }
0x47: {  	[timem:s3], [sflag:s2] =	dma.local @!p0 [hbm:s0], s1  }
0x48: {  	s0 =	simm.s32 @!p0 $0x1  }
0x49: {  	_ =	swait.ge @!p0 [sflag:s0], s1  }
0x4a: {  	s1 =	ssub.s32 @!p0 $0x0, s1;
	[sflag:s0] =	ssyncset.done @!p0 $0x0  }
0x4b: {  	[sflag:s0] =	ssyncadd.s32 @!p0 s1  }
0x4c: {  	[bflag:$0x3] =	sbarrier.arrive $0xFFFF  }
0x4d: {  	_ =	shalt  }

</sc_bundles>
